<compile_context>
chip_gen: v7x
topology: tpu7x:2x2x1
jax: 0.10.2.dev20260603
libtpu: 0.0.44.dev20260713+nightly
codegen_flags: <defaults>
</compile_context>

<pallas_src>
import functools

import jax
import jax.numpy as jnp
from jax import lax
from jax.experimental import pallas as pl
from jax.experimental.pallas import tpu as pltpu
from jax.experimental.pallas import tpu_sc as plsc

N = 10000
T = 12
C_IN = 128
HID = 256
C_OUT = 128
K = 3
TP = T - K + 1

NC = 2
NS = 16
L = 16
NW = NC * NS
CHUNK = 128
DW = 128
NPAD = 10112
STRIPE = NPAD // NS

NB = 1000
GRID = N // NB

def _sc_mesh():
    return plsc.VectorSubcoreMesh(
        core_axis_name="c", subcore_axis_name="s", num_cores=NC, num_subcores=NS)


def _zero_fill(buf, width):
    zero = jnp.zeros((L,), jnp.float32)

    def fill_zero(i, _):
        for k in range(width // L):
            buf[i, L * k:L * (k + 1)] = zero
        return 0

    lax.fori_loop(0, CHUNK, fill_zero, 0)


def _zero_stripe(buf, shared, s):
    base = s * STRIPE
    for z in range(STRIPE // CHUNK):
        pltpu.sync_copy(buf, shared.at[pl.ds(base + z * CHUNK, CHUNK)])
    rem = STRIPE % CHUNK
    if rem:
        pltpu.sync_copy(buf.at[pl.ds(0, rem)],
                        shared.at[pl.ds(base + (STRIPE // CHUNK) * CHUNK, rem)])


IGRP = 4


def _deg_body(nchunks, dst_hbm, out_hbm, dst1_v, ones_v, deg_sp):
    c = lax.axis_index("c")
    s = lax.axis_index("s")
    wid = c * NS + s
    one = jnp.full((L,), 1.0, jnp.float32)

    _zero_fill(ones_v, DW)
    _zero_stripe(ones_v, deg_sp, s)

    def fill_ones(i, _):
        for k in range(DW // L):
            ones_v[i, L * k:L * (k + 1)] = one
        return 0

    lax.fori_loop(0, CHUNK, fill_ones, 0)
    plsc.subcore_barrier()

    nsc = nchunks // IGRP

    def body(sc, _):
        pltpu.sync_copy(dst_hbm.at[wid * nsc + sc], dst1_v)
        for k in range(IGRP):
            pltpu.sync_copy(ones_v, deg_sp.at[dst1_v.at[k]], add=True)
        return 0

    lax.fori_loop(0, nsc, body, 0)
    plsc.subcore_barrier()
    pltpu.sync_copy(deg_sp.at[pl.ds(s * STRIPE, STRIPE)],
                    out_hbm.at[c, pl.ds(s * STRIPE, STRIPE)])


SCB = 8


def _scatter_body(nchunks, m_hbm, src_hbm, dst_hbm, out_hbm,
                  src1_v, dst1_v, rows_v, acc_sp):
    c = lax.axis_index("c")
    s = lax.axis_index("s")
    wid = c * NS + s

    _zero_fill(rows_v, C_OUT)
    _zero_stripe(rows_v, acc_sp, s)
    plsc.subcore_barrier()

    nsc = nchunks // IGRP

    def body(sc, _):
        pltpu.sync_copy(src_hbm.at[wid * nsc + sc], src1_v)
        pltpu.sync_copy(dst_hbm.at[wid * nsc + sc], dst1_v)
        for k in range(IGRP):
            pltpu.sync_copy(m_hbm.at[src1_v.at[k]], rows_v)
            pltpu.sync_copy(rows_v, acc_sp.at[dst1_v.at[k]], add=True)
        return 0

    lax.fori_loop(0, nsc, body, 0)
    plsc.subcore_barrier()
    pltpu.sync_copy(acc_sp.at[pl.ds(s * STRIPE, STRIPE)],
                    out_hbm.at[c, pl.ds(s * STRIPE, STRIPE)])


def _dense_body(x_ref, w1_ref, w2_ref, w3_ref, b_ref, gw_ref, degp_ref, m_ref):
    xb = x_ref[...]
    b1 = b_ref[0:1, :]
    b2 = b_ref[1:2, :]
    b3 = b_ref[2:3, :]
    w1 = w1_ref[...]
    w2 = w2_ref[...]
    w3 = w3_ref[...]
    y = [xb[:, t, :] for t in range(T)]
    acc = jnp.zeros((NB, HID), jnp.float32)
    for t in range(TP):
        xw = jnp.concatenate([y[t], y[t + 1], y[t + 2]], axis=1)
        p = jnp.dot(xw, w1, preferred_element_type=jnp.float32) + b1
        q = jnp.dot(xw, w2, preferred_element_type=jnp.float32) + b2
        r = jnp.dot(xw, w3, preferred_element_type=jnp.float32) + b3
        acc = acc + jnp.maximum(p * jax.nn.sigmoid(q) + r, 0.0)
    h = acc * jnp.float32(1.0 / TP)
    h2 = jnp.dot(h, gw_ref[...], preferred_element_type=jnp.float32)
    deg = degp_ref[0, :, 0:1] + degp_ref[1, :, 0:1] + 1.0
    m_ref[...] = h2 * lax.rsqrt(deg)


def _final_body(accp_ref, m_ref, degp_ref, gb_ref, out_ref):
    deg = degp_ref[0, :, 0:1] + degp_ref[1, :, 0:1] + 1.0
    dinv = lax.rsqrt(deg)
    tot = accp_ref[0] + accp_ref[1] + m_ref[...]
    out_ref[...] = jnp.maximum(tot * dinv + gb_ref[...], 0.0)


def _make_deg_call(nchunks):
    return pl.kernel(
        functools.partial(_deg_body, nchunks),
        out_type=jax.ShapeDtypeStruct((NC, NPAD, DW), jnp.float32),
        mesh=_sc_mesh(),
        scratch_types=[
            pltpu.VMEM((IGRP, CHUNK), jnp.int32),
            pltpu.VMEM((CHUNK, DW), jnp.float32),
            pltpu.VMEM_SHARED((NPAD, DW), jnp.float32),
        ],
    )


def _make_scatter_call(nchunks):
    return pl.kernel(
        functools.partial(_scatter_body, nchunks),
        out_type=jax.ShapeDtypeStruct((NC, NPAD, C_OUT), jnp.float32),
        mesh=_sc_mesh(),
        scratch_types=[
            pltpu.VMEM((IGRP, CHUNK), jnp.int32),
            pltpu.VMEM((IGRP, CHUNK), jnp.int32),
            pltpu.VMEM((CHUNK, C_OUT), jnp.float32),
            pltpu.VMEM_SHARED((NPAD, C_OUT), jnp.float32),
        ],
    )


def _dense_call(x, W1, W2, W3, bstack, gw, degp):
    return pl.pallas_call(
        _dense_body,
        grid=(GRID,),
        in_specs=[
            pl.BlockSpec((NB, T, C_IN), lambda i: (i, 0, 0)),
            pl.BlockSpec((K * C_IN, HID), lambda i: (0, 0)),
            pl.BlockSpec((K * C_IN, HID), lambda i: (0, 0)),
            pl.BlockSpec((K * C_IN, HID), lambda i: (0, 0)),
            pl.BlockSpec((4, HID), lambda i: (0, 0)),
            pl.BlockSpec((HID, C_OUT), lambda i: (0, 0)),
            pl.BlockSpec((NC, NB, DW), lambda i: (0, i, 0)),
        ],
        out_specs=pl.BlockSpec((NB, C_OUT), lambda i: (i, 0)),
        out_shape=jax.ShapeDtypeStruct((N, C_OUT), jnp.float32),
    )(x, W1, W2, W3, bstack, gw, degp)


def _final_call(accp, m, degp, gb2):
    return pl.pallas_call(
        _final_body,
        grid=(GRID,),
        in_specs=[
            pl.BlockSpec((NC, NB, C_OUT), lambda i: (0, i, 0)),
            pl.BlockSpec((NB, C_OUT), lambda i: (i, 0)),
            pl.BlockSpec((NC, NB, DW), lambda i: (0, i, 0)),
            pl.BlockSpec((1, C_OUT), lambda i: (0, 0)),
        ],
        out_specs=pl.BlockSpec((NB, C_OUT), lambda i: (i, 0)),
        out_shape=jax.ShapeDtypeStruct((N, C_OUT), jnp.float32),
    )(accp, m, degp, gb2)


def kernel(x, edge_index, w1, b1, w2, b2, w3, b3, gw, gb):
    E = edge_index.shape[1]
    ept = -(-E // NW)
    nchunks = -(-ept // CHUNK)
    nchunks = -(-nchunks // IGRP) * IGRP
    ept_pad = nchunks * CHUNK
    pad = NW * ept_pad - E

    trash = N + (jnp.arange(pad, dtype=jnp.int32) % (NPAD - N))
    src = jnp.concatenate([edge_index[0], jnp.zeros((pad,), jnp.int32)])
    dst = jnp.concatenate([edge_index[1], trash])


    W1 = jnp.transpose(w1[:, :, 0, :], (2, 1, 0)).reshape(K * C_IN, HID)
    W2 = jnp.transpose(w2[:, :, 0, :], (2, 1, 0)).reshape(K * C_IN, HID)
    W3 = jnp.transpose(w3[:, :, 0, :], (2, 1, 0)).reshape(K * C_IN, HID)
    bstack = jnp.stack([b1, b2, b3, jnp.zeros_like(b1)])

    src = src.reshape(NW * (nchunks // IGRP), IGRP, CHUNK)
    dst = dst.reshape(NW * (nchunks // IGRP), IGRP, CHUNK)
    degp = _make_deg_call(nchunks)(dst)
    degp_n = degp[:, :N, :]

    m = _dense_call(x, W1, W2, W3, bstack, gw, degp_n)

    accp = _make_scatter_call(nchunks)(m, src, dst)

    out = _final_call(accp[:, :N, :], m, degp_n, gb[None, :])
    return out[None]

# --- scband reference (transcript-rebuilt; emitter-appended) ---
"""Pipeline reference for scband-temporal-message-passing-gnn-6536940224930 (READ-ONLY COPY).

The authoritative reference and input builder live on the scoring server;
editing this copy changes nothing except your own understanding.
"""

import jax, jax.numpy as jnp
import numpy as np

N_NODES = 10000
N_EDGES = 320000
T = 12
C_IN = 128
HID = 256
C_OUT = 128
K = 3


def setup_inputs(seed: int = 0):
    key = jax.random.key(seed)
    ks = jax.random.split(key, 8)
    x = jax.random.normal(ks[0], (N_NODES, T, C_IN), dtype=jnp.float32)
    edge_index = jax.random.randint(ks[1], (2, N_EDGES), 0, N_NODES, dtype=jnp.int32)
    s = np.float32(1.0 / np.sqrt(C_IN * K))
    w1 = jax.random.normal(ks[2], (HID, C_IN, 1, K), dtype=jnp.float32) * s
    b1 = jnp.zeros((HID,), dtype=jnp.float32)
    w2 = jax.random.normal(ks[3], (HID, C_IN, 1, K), dtype=jnp.float32) * s
    b2 = jnp.zeros((HID,), dtype=jnp.float32)
    w3 = jax.random.normal(ks[4], (HID, C_IN, 1, K), dtype=jnp.float32) * s
    b3 = jnp.zeros((HID,), dtype=jnp.float32)
    gw = jax.random.normal(ks[5], (HID, C_OUT), dtype=jnp.float32) * np.float32(1.0 / np.sqrt(HID))
    gb = jnp.zeros((C_OUT,), dtype=jnp.float32)
    return {"x": x, "edge_index": edge_index, "w1": w1, "b1": b1, "w2": w2, "b2": b2, "w3": w3, "b3": b3, "gw": gw, "gb": gb}


def _conv2d(X, w, b):
    out = jax.lax.conv_general_dilated(X, w, window_strides=(1, 1), padding="VALID", dimension_numbers=("NCHW", "OIHW", "NCHW"))
    return out + b[None, :, None, None]


def _temporal_conv(X, w1, b1, w2, b2, w3, b3):
    # X: (B, T, N, C) -> (B, C, N, T); gated temporal conv (STGCN / pyg-temporal TemporalConv)
    Xp = jnp.transpose(X, (0, 3, 2, 1))
    P = _conv2d(Xp, w1, b1)
    Q = jax.nn.sigmoid(_conv2d(Xp, w2, b2))
    H = jax.nn.relu(P * Q + _conv2d(Xp, w3, b3))
    return jnp.transpose(H, (0, 3, 2, 1))  # (B, T-K+1, N, HID)


def _gcn_conv(h, edge_index, gw, gb):
    # PyG GCNConv: linear transform, add self-loops, symmetric normalization, scatter-add
    n = h.shape[0]
    h = h @ gw
    loop = jnp.arange(n, dtype=edge_index.dtype)
    src = jnp.concatenate([edge_index[0], loop])
    dst = jnp.concatenate([edge_index[1], loop])
    deg = jnp.zeros((n,), dtype=h.dtype).at[dst].add(1.0)
    dinv = jax.lax.rsqrt(jnp.clip(deg, 1.0, None))
    norm = dinv[src] * dinv[dst]
    msg = h[src] * norm[:, None]
    out = jnp.zeros_like(h).at[dst].add(msg)
    return out + gb


def _forward(x, edge_index, w1, b1, w2, b2, w3, b3, gw, gb):
    X = jnp.transpose(x, (1, 0, 2))[None]           # x.permute(1,0,2).unsqueeze(0) -> (1, T, N, C)
    H = _temporal_conv(X, w1, b1, w2, b2, w3, b3)   # (1, T', N, HID)
    h = jnp.squeeze(H, 0)                           # (T', N, HID)
    h = jnp.mean(h, axis=0)                         # temporal mean -> (N, HID)
    h = _gcn_conv(h, edge_index, gw, gb)            # (N, C_OUT)
    h = jax.nn.relu(h)
    # dropout: eval mode -> identity
    return h[None]                                  # unsqueeze(0) -> (1, N, C_OUT)


def reference(x, edge_index, w1, b1, w2, b2, w3, b3, gw, gb):
    return _forward(x, edge_index, w1, b1, w2, b2, w3, b3, gw, gb)

if __name__ == "__main__":
    import jax
    _d = setup_inputs()
    print(jax.jit(kernel)(*tuple(_d.values())))

</pallas_src>

<mosaic_0001>
#map = affine_map<(d0, d1) -> (0, 0)>
#map1 = affine_map<(d0, d1) -> (0, 0, 0)>
module attributes {stable_mosaic.version = 14 : i64} {
  func.func @_scatter_body(%arg0: i32, %arg1: i32, %arg2: memref<10000x128xf32, #tpu.memory_space<hbm>>, %arg3: memref<640x4x128xi32, #tpu.memory_space<hbm>>, %arg4: memref<640x4x128xi32, #tpu.memory_space<hbm>>, %arg5: memref<2x10112x128xf32, #tpu.memory_space<hbm>>, %arg6: memref<4x128xi32, #tpu.memory_space<vmem>>, %arg7: memref<4x128xi32, #tpu.memory_space<vmem>>, %arg8: memref<128x128xf32, #tpu.memory_space<vmem>>, %arg9: memref<10112x128xf32, #tpu.memory_space<vmem_shared>>) attributes {dimension_semantics = [#tpu.dimension_semantics<core_parallel>, #tpu.dimension_semantics<subcore_parallel>], iteration_bounds = array<i64: 2, 16>, scalar_prefetch = 0 : i64, scratch_operands = 4 : i64, tpu.core_type = #tpu.core_type<sc_vector_subcore>, window_params = [{transform_indices = #map}, {transform_indices = #map1}, {transform_indices = #map1}, {transform_indices = #map1}]} {
    %mul3A = arith.constant 16 : i32
    %mul3A_0 = arith.muli %arg0, %mul3A : i32
    %add3A = arith.addi %mul3A_0, %arg1 : i32
    %broadcast_in_dim3A = arith.constant 0.000000e+00 : f32
    %broadcast_in_dim3A_1 = vector.broadcast %broadcast_in_dim3A : f32 to vector<16xf32>
    %scan3A = arith.constant 0 : i32
    %scan3A_2 = arith.constant 0 : i32
    %scan3A_3 = arith.constant 128 : i32
    %scan3A_4 = arith.addi %scan3A_2, %scan3A_3 : i32
    %scan3A_5 = arith.constant 1 : i32
    %scan3A_6 = scf.for %scan3A_32 = %scan3A_2 to %scan3A_4 step %scan3A_5 iter_args(%scan3A_33 = %scan3A) -> (i32)  : i32 {
      %swap3A = arith.index_cast %scan3A_32 : i32 to index
      %swap3A_34 = arith.constant 0 : index
      %swap3A_35 = tpu.vector_load %arg8[%swap3A, %swap3A_34] {strides = array<i32>} : memref<128x128xf32, #tpu.memory_space<vmem>>, vector<1x16xf32>,
      %swap3A_36 = vector.shape_cast %swap3A_35 : vector<1x16xf32> to vector<16xf32>
      %swap3A_37 = vector.shape_cast %broadcast_in_dim3A_1 : vector<16xf32> to vector<1x16xf32>
      tpu.vector_store %arg8[%swap3A, %swap3A_34], %swap3A_37 {strides = array<i32>} : memref<128x128xf32, #tpu.memory_space<vmem>>, vector<1x16xf32>,
      %swap3A_38 = arith.index_cast %scan3A_32 : i32 to index
      %swap3A_39 = arith.constant 16 : index
      %swap3A_40 = tpu.vector_load %arg8[%swap3A_38, %swap3A_39] {strides = array<i32>} : memref<128x128xf32, #tpu.memory_space<vmem>>, vector<1x16xf32>,
      %swap3A_41 = vector.shape_cast %swap3A_40 : vector<1x16xf32> to vector<16xf32>
      %swap3A_42 = vector.shape_cast %broadcast_in_dim3A_1 : vector<16xf32> to vector<1x16xf32>
      tpu.vector_store %arg8[%swap3A_38, %swap3A_39], %swap3A_42 {strides = array<i32>} : memref<128x128xf32, #tpu.memory_space<vmem>>, vector<1x16xf32>,
      %swap3A_43 = arith.index_cast %scan3A_32 : i32 to index
      %swap3A_44 = arith.constant 32 : index
      %swap3A_45 = tpu.vector_load %arg8[%swap3A_43, %swap3A_44] {strides = array<i32>} : memref<128x128xf32, #tpu.memory_space<vmem>>, vector<1x16xf32>,
      %swap3A_46 = vector.shape_cast %swap3A_45 : vector<1x16xf32> to vector<16xf32>
      %swap3A_47 = vector.shape_cast %broadcast_in_dim3A_1 : vector<16xf32> to vector<1x16xf32>
      tpu.vector_store %arg8[%swap3A_43, %swap3A_44], %swap3A_47 {strides = array<i32>} : memref<128x128xf32, #tpu.memory_space<vmem>>, vector<1x16xf32>,
      %swap3A_48 = arith.index_cast %scan3A_32 : i32 to index
      %swap3A_49 = arith.constant 48 : index
      %swap3A_50 = tpu.vector_load %arg8[%swap3A_48, %swap3A_49] {strides = array<i32>} : memref<128x128xf32, #tpu.memory_space<vmem>>, vector<1x16xf32>,
      %swap3A_51 = vector.shape_cast %swap3A_50 : vector<1x16xf32> to vector<16xf32>
      %swap3A_52 = vector.shape_cast %broadcast_in_dim3A_1 : vector<16xf32> to vector<1x16xf32>
      tpu.vector_store %arg8[%swap3A_48, %swap3A_49], %swap3A_52 {strides = array<i32>} : memref<128x128xf32, #tpu.memory_space<vmem>>, vector<1x16xf32>,
      %swap3A_53 = arith.index_cast %scan3A_32 : i32 to index
      %swap3A_54 = arith.constant 64 : index
      %swap3A_55 = tpu.vector_load %arg8[%swap3A_53, %swap3A_54] {strides = array<i32>} : memref<128x128xf32, #tpu.memory_space<vmem>>, vector<1x16xf32>,
      %swap3A_56 = vector.shape_cast %swap3A_55 : vector<1x16xf32> to vector<16xf32>
      %swap3A_57 = vector.shape_cast %broadcast_in_dim3A_1 : vector<16xf32> to vector<1x16xf32>
      tpu.vector_store %arg8[%swap3A_53, %swap3A_54], %swap3A_57 {strides = array<i32>} : memref<128x128xf32, #tpu.memory_space<vmem>>, vector<1x16xf32>,
      %swap3A_58 = arith.index_cast %scan3A_32 : i32 to index
      %swap3A_59 = arith.constant 80 : index
      %swap3A_60 = tpu.vector_load %arg8[%swap3A_58, %swap3A_59] {strides = array<i32>} : memref<128x128xf32, #tpu.memory_space<vmem>>, vector<1x16xf32>,
      %swap3A_61 = vector.shape_cast %swap3A_60 : vector<1x16xf32> to vector<16xf32>
      %swap3A_62 = vector.shape_cast %broadcast_in_dim3A_1 : vector<16xf32> to vector<1x16xf32>
      tpu.vector_store %arg8[%swap3A_58, %swap3A_59], %swap3A_62 {strides = array<i32>} : memref<128x128xf32, #tpu.memory_space<vmem>>, vector<1x16xf32>,
      %swap3A_63 = arith.index_cast %scan3A_32 : i32 to index
      %swap3A_64 = arith.constant 96 : index
      %swap3A_65 = tpu.vector_load %arg8[%swap3A_63, %swap3A_64] {strides = array<i32>} : memref<128x128xf32, #tpu.memory_space<vmem>>, vector<1x16xf32>,
      %swap3A_66 = vector.shape_cast %swap3A_65 : vector<1x16xf32> to vector<16xf32>
      %swap3A_67 = vector.shape_cast %broadcast_in_dim3A_1 : vector<16xf32> to vector<1x16xf32>
      tpu.vector_store %arg8[%swap3A_63, %swap3A_64], %swap3A_67 {strides = array<i32>} : memref<128x128xf32, #tpu.memory_space<vmem>>, vector<1x16xf32>,
      %swap3A_68 = arith.index_cast %scan3A_32 : i32 to index
      %swap3A_69 = arith.constant 112 : index
      %swap3A_70 = tpu.vector_load %arg8[%swap3A_68, %swap3A_69] {strides = array<i32>} : memref<128x128xf32, #tpu.memory_space<vmem>>, vector<1x16xf32>,
      %swap3A_71 = vector.shape_cast %swap3A_70 : vector<1x16xf32> to vector<16xf32>
      %swap3A_72 = vector.shape_cast %broadcast_in_dim3A_1 : vector<16xf32> to vector<1x16xf32>
      tpu.vector_store %arg8[%swap3A_68, %swap3A_69], %swap3A_72 {strides = array<i32>} : memref<128x128xf32, #tpu.memory_space<vmem>>, vector<1x16xf32>,
      %scan3A_73 = arith.constant 0 : i32
      scf.yield %scan3A_73 : i32
    }
    %scan3A_7 = arith.constant 128 : i32
    %mul3A_8 = arith.constant 632 : i32
    %mul3A_9 = arith.muli %arg1, %mul3A_8 : i32
    %add3A_10 = arith.constant 0 : i32
    %add3A_11 = arith.addi %mul3A_9, %add3A_10 : i32
    "tpu.region"() ({
      %run_scoped3A = tpu.sem_alloc : memref<!tpu.dma_semaphore, #tpu.memory_space<semaphore_mem>>
      %dma_start3A = arith.constant 0 : i32
      %dma_start3A_32 = tpu.memref_slice %arg9[%add3A_11, %dma_start3A] : memref<10112x128xf32, #tpu.memory_space<vmem_shared>> -> memref<128x128xf32, #tpu.memory_space<vmem_shared>>
      %dma_start3A_33 = arith.constant 0 : i32
      %dma_start3A_34 = tpu.memref_slice %arg9[%add3A_11, %dma_start3A_33] : memref<10112x128xf32, #tpu.memory_space<vmem_shared>> -> memref<128x128xf32, #tpu.memory_space<vmem_shared>>
      tpu.enqueue_dma source(%arg8 : memref<128x128xf32, #tpu.memory_space<vmem>>) target(%dma_start3A_34 : memref<128x128xf32, #tpu.memory_space<vmem_shared>>) target_semaphore(%run_scoped3A : memref<!tpu.dma_semaphore, #tpu.memory_space<semaphore_mem>>)
      %dma_wait3A = arith.constant 0 : i32
      %dma_wait3A_35 = tpu.memref_slice %arg9[%add3A_11, %dma_wait3A] : memref<10112x128xf32, #tpu.memory_space<vmem_shared>> -> memref<128x128xf32, #tpu.memory_space<vmem_shared>>
      %dma_wait3A_36 = arith.constant 0 : i32
      %dma_wait3A_37 = tpu.memref_slice %arg9[%add3A_11, %dma_wait3A_36] : memref<10112x128xf32, #tpu.memory_space<vmem_shared>> -> memref<128x128xf32, #tpu.memory_space<vmem_shared>>
      tpu.wait_dma2 semaphore(%run_scoped3A : memref<!tpu.dma_semaphore, #tpu.memory_space<semaphore_mem>>) src(%arg8 : memref<128x128xf32, #tpu.memory_space<vmem>>) dst(%dma_wait3A_37 : memref<128x128xf32, #tpu.memory_space<vmem_shared>>)
      tpu.yield
    }) : () -> ()
    %add3A_12 = arith.constant 128 : i32
    %add3A_13 = arith.addi %mul3A_9, %add3A_12 : i32
    "tpu.region"() ({
      %run_scoped3A = tpu.sem_alloc : memref<!tpu.dma_semaphore, #tpu.memory_space<semaphore_mem>>
      %dma_start3A = arith.constant 0 : i32
      %dma_start3A_32 = tpu.memref_slice %arg9[%add3A_13, %dma_start3A] : memref<10112x128xf32, #tpu.memory_space<vmem_shared>> -> memref<128x128xf32, #tpu.memory_space<vmem_shared>>
      %dma_start3A_33 = arith.constant 0 : i32
      %dma_start3A_34 = tpu.memref_slice %arg9[%add3A_13, %dma_start3A_33] : memref<10112x128xf32, #tpu.memory_space<vmem_shared>> -> memref<128x128xf32, #tpu.memory_space<vmem_shared>>
      tpu.enqueue_dma source(%arg8 : memref<128x128xf32, #tpu.memory_space<vmem>>) target(%dma_start3A_34 : memref<128x128xf32, #tpu.memory_space<vmem_shared>>) target_semaphore(%run_scoped3A : memref<!tpu.dma_semaphore, #tpu.memory_space<semaphore_mem>>)
      %dma_wait3A = arith.constant 0 : i32
      %dma_wait3A_35 = tpu.memref_slice %arg9[%add3A_13, %dma_wait3A] : memref<10112x128xf32, #tpu.memory_space<vmem_shared>> -> memref<128x128xf32, #tpu.memory_space<vmem_shared>>
      %dma_wait3A_36 = arith.constant 0 : i32
      %dma_wait3A_37 = tpu.memref_slice %arg9[%add3A_13, %dma_wait3A_36] : memref<10112x128xf32, #tpu.memory_space<vmem_shared>> -> memref<128x128xf32, #tpu.memory_space<vmem_shared>>
      tpu.wait_dma2 semaphore(%run_scoped3A : memref<!tpu.dma_semaphore, #tpu.memory_space<semaphore_mem>>) src(%arg8 : memref<128x128xf32, #tpu.memory_space<vmem>>) dst(%dma_wait3A_37 : memref<128x128xf32, #tpu.memory_space<vmem_shared>>)
      tpu.yield
    }) : () -> ()
    %add3A_14 = arith.constant 256 : i32
    %add3A_15 = arith.addi %mul3A_9, %add3A_14 : i32
    "tpu.region"() ({
      %run_scoped3A = tpu.sem_alloc : memref<!tpu.dma_semaphore, #tpu.memory_space<semaphore_mem>>
      %dma_start3A = arith.constant 0 : i32
      %dma_start3A_32 = tpu.memref_slice %arg9[%add3A_15, %dma_start3A] : memref<10112x128xf32, #tpu.memory_space<vmem_shared>> -> memref<128x128xf32, #tpu.memory_space<vmem_shared>>
      %dma_start3A_33 = arith.constant 0 : i32
      %dma_start3A_34 = tpu.memref_slice %arg9[%add3A_15, %dma_start3A_33] : memref<10112x128xf32, #tpu.memory_space<vmem_shared>> -> memref<128x128xf32, #tpu.memory_space<vmem_shared>>
      tpu.enqueue_dma source(%arg8 : memref<128x128xf32, #tpu.memory_space<vmem>>) target(%dma_start3A_34 : memref<128x128xf32, #tpu.memory_space<vmem_shared>>) target_semaphore(%run_scoped3A : memref<!tpu.dma_semaphore, #tpu.memory_space<semaphore_mem>>)
      %dma_wait3A = arith.constant 0 : i32
      %dma_wait3A_35 = tpu.memref_slice %arg9[%add3A_15, %dma_wait3A] : memref<10112x128xf32, #tpu.memory_space<vmem_shared>> -> memref<128x128xf32, #tpu.memory_space<vmem_shared>>
      %dma_wait3A_36 = arith.constant 0 : i32
      %dma_wait3A_37 = tpu.memref_slice %arg9[%add3A_15, %dma_wait3A_36] : memref<10112x128xf32, #tpu.memory_space<vmem_shared>> -> memref<128x128xf32, #tpu.memory_space<vmem_shared>>
      tpu.wait_dma2 semaphore(%run_scoped3A : memref<!tpu.dma_semaphore, #tpu.memory_space<semaphore_mem>>) src(%arg8 : memref<128x128xf32, #tpu.memory_space<vmem>>) dst(%dma_wait3A_37 : memref<128x128xf32, #tpu.memory_space<vmem_shared>>)
      tpu.yield
    }) : () -> ()
    %add3A_16 = arith.constant 384 : i32
    %add3A_17 = arith.addi %mul3A_9, %add3A_16 : i32
    "tpu.region"() ({
      %run_scoped3A = tpu.sem_alloc : memref<!tpu.dma_semaphore, #tpu.memory_space<semaphore_mem>>
      %dma_start3A = arith.constant 0 : i32
      %dma_start3A_32 = tpu.memref_slice %arg9[%add3A_17, %dma_start3A] : memref<10112x128xf32, #tpu.memory_space<vmem_shared>> -> memref<128x128xf32, #tpu.memory_space<vmem_shared>>
      %dma_start3A_33 = arith.constant 0 : i32
      %dma_start3A_34 = tpu.memref_slice %arg9[%add3A_17, %dma_start3A_33] : memref<10112x128xf32, #tpu.memory_space<vmem_shared>> -> memref<128x128xf32, #tpu.memory_space<vmem_shared>>
      tpu.enqueue_dma source(%arg8 : memref<128x128xf32, #tpu.memory_space<vmem>>) target(%dma_start3A_34 : memref<128x128xf32, #tpu.memory_space<vmem_shared>>) target_semaphore(%run_scoped3A : memref<!tpu.dma_semaphore, #tpu.memory_space<semaphore_mem>>)
      %dma_wait3A = arith.constant 0 : i32
      %dma_wait3A_35 = tpu.memref_slice %arg9[%add3A_17, %dma_wait3A] : memref<10112x128xf32, #tpu.memory_space<vmem_shared>> -> memref<128x128xf32, #tpu.memory_space<vmem_shared>>
      %dma_wait3A_36 = arith.constant 0 : i32
      %dma_wait3A_37 = tpu.memref_slice %arg9[%add3A_17, %dma_wait3A_36] : memref<10112x128xf32, #tpu.memory_space<vmem_shared>> -> memref<128x128xf32, #tpu.memory_space<vmem_shared>>
      tpu.wait_dma2 semaphore(%run_scoped3A : memref<!tpu.dma_semaphore, #tpu.memory_space<semaphore_mem>>) src(%arg8 : memref<128x128xf32, #tpu.memory_space<vmem>>) dst(%dma_wait3A_37 : memref<128x128xf32, #tpu.memory_space<vmem_shared>>)
      tpu.yield
    }) : () -> ()
    %add3A_18 = arith.constant 512 : i32
    %add3A_19 = arith.addi %mul3A_9, %add3A_18 : i32
    "tpu.region"() ({
      %run_scoped3A = tpu.sem_alloc : memref<!tpu.dma_semaphore, #tpu.memory_space<semaphore_mem>>
      %dma_start3A = arith.constant 0 : i32
      %dma_start3A_32 = arith.constant 0 : i32
      %dma_start3A_33 = tpu.memref_slice %arg8[%dma_start3A, %dma_start3A_32] : memref<128x128xf32, #tpu.memory_space<vmem>> -> memref<120x128xf32, #tpu.memory_space<vmem>>
      %dma_start3A_34 = arith.constant 0 : i32
      %dma_start3A_35 = tpu.memref_slice %arg9[%add3A_19, %dma_start3A_34] : memref<10112x128xf32, #tpu.memory_space<vmem_shared>> -> memref<120x128xf32, #tpu.memory_space<vmem_shared>>
      %dma_start3A_36 = arith.constant 0 : i32
      %dma_start3A_37 = tpu.memref_slice %arg9[%add3A_19, %dma_start3A_36] : memref<10112x128xf32, #tpu.memory_space<vmem_shared>> -> memref<120x128xf32, #tpu.memory_space<vmem_shared>>
      %dma_start3A_38 = arith.constant 0 : i32
      %dma_start3A_39 = arith.constant 0 : i32
      %dma_start3A_40 = tpu.memref_slice %arg8[%dma_start3A_38, %dma_start3A_39] : memref<128x128xf32, #tpu.memory_space<vmem>> -> memref<120x128xf32, #tpu.memory_space<vmem>>
      tpu.enqueue_dma source(%dma_start3A_40 : memref<120x128xf32, #tpu.memory_space<vmem>>) target(%dma_start3A_37 : memref<120x128xf32, #tpu.memory_space<vmem_shared>>) target_semaphore(%run_scoped3A : memref<!tpu.dma_semaphore, #tpu.memory_space<semaphore_mem>>)
      %dma_wait3A = arith.constant 0 : i32
      %dma_wait3A_41 = arith.constant 0 : i32
      %dma_wait3A_42 = tpu.memref_slice %arg8[%dma_wait3A, %dma_wait3A_41] : memref<128x128xf32, #tpu.memory_space<vmem>> -> memref<120x128xf32, #tpu.memory_space<vmem>>
      %dma_wait3A_43 = arith.constant 0 : i32
      %dma_wait3A_44 = tpu.memref_slice %arg9[%add3A_19, %dma_wait3A_43] : memref<10112x128xf32, #tpu.memory_space<vmem_shared>> -> memref<120x128xf32, #tpu.memory_space<vmem_shared>>
      %dma_wait3A_45 = arith.constant 0 : i32
      %dma_wait3A_46 = tpu.memref_slice %arg9[%add3A_19, %dma_wait3A_45] : memref<10112x128xf32, #tpu.memory_space<vmem_shared>> -> memref<120x128xf32, #tpu.memory_space<vmem_shared>>
      %dma_wait3A_47 = arith.constant 0 : i32
      %dma_wait3A_48 = arith.constant 0 : i32
      %dma_wait3A_49 = tpu.memref_slice %arg8[%dma_wait3A_47, %dma_wait3A_48] : memref<128x128xf32, #tpu.memory_space<vmem>> -> memref<120x128xf32, #tpu.memory_space<vmem>>
      tpu.wait_dma2 semaphore(%run_scoped3A : memref<!tpu.dma_semaphore, #tpu.memory_space<semaphore_mem>>) src(%dma_wait3A_49 : memref<120x128xf32, #tpu.memory_space<vmem>>) dst(%dma_wait3A_46 : memref<120x128xf32, #tpu.memory_space<vmem_shared>>)
      tpu.yield
    }) : () -> ()
    %barrier3A = arith.constant 0 : index
    tpu.barrier barrier_id(%barrier3A)
    %scan3A_20 = arith.constant 0 : i32
    %scan3A_21 = arith.constant 0 : i32
    %scan3A_22 = arith.constant 20 : i32
    %scan3A_23 = arith.addi %scan3A_21, %scan3A_22 : i32
    %scan3A_24 = arith.constant 1 : i32
    %scan3A_25 = scf.for %scan3A_32 = %scan3A_21 to %scan3A_23 step %scan3A_24 iter_args(%scan3A_33 = %scan3A_20) -> (i32)  : i32 {
      %mul3A_34 = arith.constant 20 : i32
      %mul3A_35 = arith.muli %add3A, %mul3A_34 : i32
      %add3A_36 = arith.addi %mul3A_35, %scan3A_32 : i32
      "tpu.region"() ({
        %run_scoped3A_48 = tpu.sem_alloc : memref<!tpu.dma_semaphore, #tpu.memory_space<semaphore_mem>>
        %dma_start3A = arith.constant 0 : i32
        %dma_start3A_49 = arith.constant 0 : i32
        %dma_start3A_50 = tpu.memref_slice %arg3[%add3A_36, %dma_start3A, %dma_start3A_49] : memref<640x4x128xi32, #tpu.memory_space<hbm>> -> memref<1x4x128xi32, #tpu.memory_space<hbm>>
        %dma_start3A_51 = tpu.memref_squeeze %dma_start3A_50 : memref<1x4x128xi32, #tpu.memory_space<hbm>> -> memref<4x128xi32, #tpu.memory_space<hbm>>
        %dma_start3A_52 = arith.constant 0 : i32
        %dma_start3A_53 = arith.constant 0 : i32
        %dma_start3A_54 = tpu.memref_slice %arg3[%add3A_36, %dma_start3A_52, %dma_start3A_53] : memref<640x4x128xi32, #tpu.memory_space<hbm>> -> memref<1x4x128xi32, #tpu.memory_space<hbm>>
        %dma_start3A_55 = tpu.memref_squeeze %dma_start3A_54 : memref<1x4x128xi32, #tpu.memory_space<hbm>> -> memref<4x128xi32, #tpu.memory_space<hbm>>
        tpu.enqueue_dma source(%dma_start3A_55 : memref<4x128xi32, #tpu.memory_space<hbm>>) target(%arg6 : memref<4x128xi32, #tpu.memory_space<vmem>>) target_semaphore(%run_scoped3A_48 : memref<!tpu.dma_semaphore, #tpu.memory_space<semaphore_mem>>)
        %dma_wait3A = arith.constant 0 : i32
        %dma_wait3A_56 = arith.constant 0 : i32
        %dma_wait3A_57 = tpu.memref_slice %arg3[%add3A_36, %dma_wait3A, %dma_wait3A_56] : memref<640x4x128xi32, #tpu.memory_space<hbm>> -> memref<1x4x128xi32, #tpu.memory_space<hbm>>
        %dma_wait3A_58 = tpu.memref_squeeze %dma_wait3A_57 : memref<1x4x128xi32, #tpu.memory_space<hbm>> -> memref<4x128xi32, #tpu.memory_space<hbm>>
        %dma_wait3A_59 = arith.constant 0 : i32
        %dma_wait3A_60 = arith.constant 0 : i32
        %dma_wait3A_61 = tpu.memref_slice %arg3[%add3A_36, %dma_wait3A_59, %dma_wait3A_60] : memref<640x4x128xi32, #tpu.memory_space<hbm>> -> memref<1x4x128xi32, #tpu.memory_space<hbm>>
        %dma_wait3A_62 = tpu.memref_squeeze %dma_wait3A_61 : memref<1x4x128xi32, #tpu.memory_space<hbm>> -> memref<4x128xi32, #tpu.memory_space<hbm>>
        tpu.wait_dma2 semaphore(%run_scoped3A_48 : memref<!tpu.dma_semaphore, #tpu.memory_space<semaphore_mem>>) src(%dma_wait3A_62 : memref<4x128xi32, #tpu.memory_space<hbm>>) dst(%arg6 : memref<4x128xi32, #tpu.memory_space<vmem>>)
        tpu.yield
      }) : () -> ()
      %mul3A_37 = arith.constant 20 : i32
      %mul3A_38 = arith.muli %add3A, %mul3A_37 : i32
      %add3A_39 = arith.addi %mul3A_38, %scan3A_32 : i32
      "tpu.region"() ({
        %run_scoped3A_48 = tpu.sem_alloc : memref<!tpu.dma_semaphore, #tpu.memory_space<semaphore_mem>>
        %dma_start3A = arith.constant 0 : i32
        %dma_start3A_49 = arith.constant 0 : i32
        %dma_start3A_50 = tpu.memref_slice %arg4[%add3A_39, %dma_start3A, %dma_start3A_49] : memref<640x4x128xi32, #tpu.memory_space<hbm>> -> memref<1x4x128xi32, #tpu.memory_space<hbm>>
        %dma_start3A_51 = tpu.memref_squeeze %dma_start3A_50 : memref<1x4x128xi32, #tpu.memory_space<hbm>> -> memref<4x128xi32, #tpu.memory_space<hbm>>
        %dma_start3A_52 = arith.constant 0 : i32
        %dma_start3A_53 = arith.constant 0 : i32
        %dma_start3A_54 = tpu.memref_slice %arg4[%add3A_39, %dma_start3A_52, %dma_start3A_53] : memref<640x4x128xi32, #tpu.memory_space<hbm>> -> memref<1x4x128xi32, #tpu.memory_space<hbm>>
        %dma_start3A_55 = tpu.memref_squeeze %dma_start3A_54 : memref<1x4x128xi32, #tpu.memory_space<hbm>> -> memref<4x128xi32, #tpu.memory_space<hbm>>
        tpu.enqueue_dma source(%dma_start3A_55 : memref<4x128xi32, #tpu.memory_space<hbm>>) target(%arg7 : memref<4x128xi32, #tpu.memory_space<vmem>>) target_semaphore(%run_scoped3A_48 : memref<!tpu.dma_semaphore, #tpu.memory_space<semaphore_mem>>)
        %dma_wait3A = arith.constant 0 : i32
        %dma_wait3A_56 = arith.constant 0 : i32
        %dma_wait3A_57 = tpu.memref_slice %arg4[%add3A_39, %dma_wait3A, %dma_wait3A_56] : memref<640x4x128xi32, #tpu.memory_space<hbm>> -> memref<1x4x128xi32, #tpu.memory_space<hbm>>
        %dma_wait3A_58 = tpu.memref_squeeze %dma_wait3A_57 : memref<1x4x128xi32, #tpu.memory_space<hbm>> -> memref<4x128xi32, #tpu.memory_space<hbm>>
        %dma_wait3A_59 = arith.constant 0 : i32
        %dma_wait3A_60 = arith.constant 0 : i32
        %dma_wait3A_61 = tpu.memref_slice %arg4[%add3A_39, %dma_wait3A_59, %dma_wait3A_60] : memref<640x4x128xi32, #tpu.memory_space<hbm>> -> memref<1x4x128xi32, #tpu.memory_space<hbm>>
        %dma_wait3A_62 = tpu.memref_squeeze %dma_wait3A_61 : memref<1x4x128xi32, #tpu.memory_space<hbm>> -> memref<4x128xi32, #tpu.memory_space<hbm>>
        tpu.wait_dma2 semaphore(%run_scoped3A_48 : memref<!tpu.dma_semaphore, #tpu.memory_space<semaphore_mem>>) src(%dma_wait3A_62 : memref<4x128xi32, #tpu.memory_space<hbm>>) dst(%arg7 : memref<4x128xi32, #tpu.memory_space<vmem>>)
        tpu.yield
      }) : () -> ()
      %run_scoped3A = arith.constant 0 : i32
      "tpu.region"() ({
        %run_scoped3A_48 = tpu.sem_alloc : memref<!tpu.dma_semaphore, #tpu.memory_space<semaphore_mem>>
        %dma_start3A = arith.constant 0 : i32
        %dma_start3A_49 = tpu.memref_slice %arg6[%run_scoped3A, %dma_start3A] : memref<4x128xi32, #tpu.memory_space<vmem>> -> memref<1x128xi32, #tpu.memory_space<vmem>>
        %dma_start3A_50 = tpu.memref_squeeze %dma_start3A_49 : memref<1x128xi32, #tpu.memory_space<vmem>> -> memref<128xi32, #tpu.memory_space<vmem>>
        %dma_start3A_51 = arith.constant 0 : i32
        %dma_start3A_52 = arith.constant 0 : i32
        %dma_start3A_53 = tpu.memref_slice %arg2[%dma_start3A_51, %dma_start3A_52] : memref<10000x128xf32, #tpu.memory_space<hbm>> -> memref<10000x128xf32, #tpu.memory_space<hbm>>
        tpu.enqueue_indirect_dma source(%dma_start3A_53 : memref<10000x128xf32, #tpu.memory_space<hbm>>) target(%arg8 : memref<128x128xf32, #tpu.memory_space<vmem>>) offsets(%dma_start3A_50 : memref<128xi32, #tpu.memory_space<vmem>>) semaphore(%run_scoped3A_48 : memref<!tpu.dma_semaphore, #tpu.memory_space<semaphore_mem>>)
        %dma_wait3A = arith.constant 0 : i32
        %dma_wait3A_54 = tpu.memref_slice %arg6[%run_scoped3A, %dma_wait3A] : memref<4x128xi32, #tpu.memory_space<vmem>> -> memref<1x128xi32, #tpu.memory_space<vmem>>
        %dma_wait3A_55 = tpu.memref_squeeze %dma_wait3A_54 : memref<1x128xi32, #tpu.memory_space<vmem>> -> memref<128xi32, #tpu.memory_space<vmem>>
        %dma_wait3A_56 = arith.constant 0 : i32
        %dma_wait3A_57 = arith.constant 0 : i32
        %dma_wait3A_58 = tpu.memref_slice %arg2[%dma_wait3A_56, %dma_wait3A_57] : memref<10000x128xf32, #tpu.memory_space<hbm>> -> memref<10000x128xf32, #tpu.memory_space<hbm>>
        tpu.wait_indirect_dma semaphore(%run_scoped3A_48 : memref<!tpu.dma_semaphore, #tpu.memory_space<semaphore_mem>>) src(%dma_wait3A_58 : memref<10000x128xf32, #tpu.memory_space<hbm>>) dst(%arg8 : memref<128x128xf32, #tpu.memory_space<vmem>>)
        tpu.yield
      }) : () -> ()
      %run_scoped3A_40 = arith.constant 0 : i32
      "tpu.region"() ({
        %run_scoped3A_48 = tpu.sem_alloc : memref<!tpu.dma_semaphore, #tpu.memory_space<semaphore_mem>>
        %dma_start3A = arith.constant 0 : i32
        %dma_start3A_49 = tpu.memref_slice %arg7[%run_scoped3A_40, %dma_start3A] : memref<4x128xi32, #tpu.memory_space<vmem>> -> memref<1x128xi32, #tpu.memory_space<vmem>>
        %dma_start3A_50 = tpu.memref_squeeze %dma_start3A_49 : memref<1x128xi32, #tpu.memory_space<vmem>> -> memref<128xi32, #tpu.memory_space<vmem>>
        %dma_start3A_51 = arith.constant 0 : i32
        %dma_start3A_52 = arith.constant 0 : i32
        %dma_start3A_53 = tpu.memref_slice %arg9[%dma_start3A_51, %dma_start3A_52] : memref<10112x128xf32, #tpu.memory_space<vmem_shared>> -> memref<10112x128xf32, #tpu.memory_space<vmem_shared>>
        tpu.enqueue_indirect_dma source(%arg8 : memref<128x128xf32, #tpu.memory_space<vmem>>) target(%dma_start3A_53 : memref<10112x128xf32, #tpu.memory_space<vmem_shared>>) offsets(%dma_start3A_50 : memref<128xi32, #tpu.memory_space<vmem>>) semaphore(%run_scoped3A_48 : memref<!tpu.dma_semaphore, #tpu.memory_space<semaphore_mem>>) {add = true}
        %dma_wait3A = arith.constant 0 : i32
        %dma_wait3A_54 = tpu.memref_slice %arg7[%run_scoped3A_40, %dma_wait3A] : memref<4x128xi32, #tpu.memory_space<vmem>> -> memref<1x128xi32, #tpu.memory_space<vmem>>
        %dma_wait3A_55 = tpu.memref_squeeze %dma_wait3A_54 : memref<1x128xi32, #tpu.memory_space<vmem>> -> memref<128xi32, #tpu.memory_space<vmem>>
        %dma_wait3A_56 = arith.constant 0 : i32
        %dma_wait3A_57 = arith.constant 0 : i32
        %dma_wait3A_58 = tpu.memref_slice %arg9[%dma_wait3A_56, %dma_wait3A_57] : memref<10112x128xf32, #tpu.memory_space<vmem_shared>> -> memref<10112x128xf32, #tpu.memory_space<vmem_shared>>
        tpu.wait_indirect_dma semaphore(%run_scoped3A_48 : memref<!tpu.dma_semaphore, #tpu.memory_space<semaphore_mem>>) src(%arg8 : memref<128x128xf32, #tpu.memory_space<vmem>>) dst(%dma_wait3A_58 : memref<10112x128xf32, #tpu.memory_space<vmem_shared>>)
        tpu.yield
      }) : () -> ()
      %run_scoped3A_41 = arith.constant 1 : i32
      "tpu.region"() ({
        %run_scoped3A_48 = tpu.sem_alloc : memref<!tpu.dma_semaphore, #tpu.memory_space<semaphore_mem>>
        %dma_start3A = arith.constant 0 : i32
        %dma_start3A_49 = tpu.memref_slice %arg6[%run_scoped3A_41, %dma_start3A] : memref<4x128xi32, #tpu.memory_space<vmem>> -> memref<1x128xi32, #tpu.memory_space<vmem>>
        %dma_start3A_50 = tpu.memref_squeeze %dma_start3A_49 : memref<1x128xi32, #tpu.memory_space<vmem>> -> memref<128xi32, #tpu.memory_space<vmem>>
        %dma_start3A_51 = arith.constant 0 : i32
        %dma_start3A_52 = arith.constant 0 : i32
        %dma_start3A_53 = tpu.memref_slice %arg2[%dma_start3A_51, %dma_start3A_52] : memref<10000x128xf32, #tpu.memory_space<hbm>> -> memref<10000x128xf32, #tpu.memory_space<hbm>>
        tpu.enqueue_indirect_dma source(%dma_start3A_53 : memref<10000x128xf32, #tpu.memory_space<hbm>>) target(%arg8 : memref<128x128xf32, #tpu.memory_space<vmem>>) offsets(%dma_start3A_50 : memref<128xi32, #tpu.memory_space<vmem>>) semaphore(%run_scoped3A_48 : memref<!tpu.dma_semaphore, #tpu.memory_space<semaphore_mem>>)
        %dma_wait3A = arith.constant 0 : i32
        %dma_wait3A_54 = tpu.memref_slice %arg6[%run_scoped3A_41, %dma_wait3A] : memref<4x128xi32, #tpu.memory_space<vmem>> -> memref<1x128xi32, #tpu.memory_space<vmem>>
        %dma_wait3A_55 = tpu.memref_squeeze %dma_wait3A_54 : memref<1x128xi32, #tpu.memory_space<vmem>> -> memref<128xi32, #tpu.memory_space<vmem>>
        %dma_wait3A_56 = arith.constant 0 : i32
        %dma_wait3A_57 = arith.constant 0 : i32
        %dma_wait3A_58 = tpu.memref_slice %arg2[%dma_wait3A_56, %dma_wait3A_57] : memref<10000x128xf32, #tpu.memory_space<hbm>> -> memref<10000x128xf32, #tpu.memory_space<hbm>>
        tpu.wait_indirect_dma semaphore(%run_scoped3A_48 : memref<!tpu.dma_semaphore, #tpu.memory_space<semaphore_mem>>) src(%dma_wait3A_58 : memref<10000x128xf32, #tpu.memory_space<hbm>>) dst(%arg8 : memref<128x128xf32, #tpu.memory_space<vmem>>)
        tpu.yield
      }) : () -> ()
      %run_scoped3A_42 = arith.constant 1 : i32
      "tpu.region"() ({
        %run_scoped3A_48 = tpu.sem_alloc : memref<!tpu.dma_semaphore, #tpu.memory_space<semaphore_mem>>
        %dma_start3A = arith.constant 0 : i32
        %dma_start3A_49 = tpu.memref_slice %arg7[%run_scoped3A_42, %dma_start3A] : memref<4x128xi32, #tpu.memory_space<vmem>> -> memref<1x128xi32, #tpu.memory_space<vmem>>
        %dma_start3A_50 = tpu.memref_squeeze %dma_start3A_49 : memref<1x128xi32, #tpu.memory_space<vmem>> -> memref<128xi32, #tpu.memory_space<vmem>>
        %dma_start3A_51 = arith.constant 0 : i32
        %dma_start3A_52 = arith.constant 0 : i32
        %dma_start3A_53 = tpu.memref_slice %arg9[%dma_start3A_51, %dma_start3A_52] : memref<10112x128xf32, #tpu.memory_space<vmem_shared>> -> memref<10112x128xf32, #tpu.memory_space<vmem_shared>>
        tpu.enqueue_indirect_dma source(%arg8 : memref<128x128xf32, #tpu.memory_space<vmem>>) target(%dma_start3A_53 : memref<10112x128xf32, #tpu.memory_space<vmem_shared>>) offsets(%dma_start3A_50 : memref<128xi32, #tpu.memory_space<vmem>>) semaphore(%run_scoped3A_48 : memref<!tpu.dma_semaphore, #tpu.memory_space<semaphore_mem>>) {add = true}
        %dma_wait3A = arith.constant 0 : i32
        %dma_wait3A_54 = tpu.memref_slice %arg7[%run_scoped3A_42, %dma_wait3A] : memref<4x128xi32, #tpu.memory_space<vmem>> -> memref<1x128xi32, #tpu.memory_space<vmem>>
        %dma_wait3A_55 = tpu.memref_squeeze %dma_wait3A_54 : memref<1x128xi32, #tpu.memory_space<vmem>> -> memref<128xi32, #tpu.memory_space<vmem>>
        %dma_wait3A_56 = arith.constant 0 : i32
        %dma_wait3A_57 = arith.constant 0 : i32
        %dma_wait3A_58 = tpu.memref_slice %arg9[%dma_wait3A_56, %dma_wait3A_57] : memref<10112x128xf32, #tpu.memory_space<vmem_shared>> -> memref<10112x128xf32, #tpu.memory_space<vmem_shared>>
        tpu.wait_indirect_dma semaphore(%run_scoped3A_48 : memref<!tpu.dma_semaphore, #tpu.memory_space<semaphore_mem>>) src(%arg8 : memref<128x128xf32, #tpu.memory_space<vmem>>) dst(%dma_wait3A_58 : memref<10112x128xf32, #tpu.memory_space<vmem_shared>>)
        tpu.yield
      }) : () -> ()
      %run_scoped3A_43 = arith.constant 2 : i32
      "tpu.region"() ({
        %run_scoped3A_48 = tpu.sem_alloc : memref<!tpu.dma_semaphore, #tpu.memory_space<semaphore_mem>>
        %dma_start3A = arith.constant 0 : i32
        %dma_start3A_49 = tpu.memref_slice %arg6[%run_scoped3A_43, %dma_start3A] : memref<4x128xi32, #tpu.memory_space<vmem>> -> memref<1x128xi32, #tpu.memory_space<vmem>>
        %dma_start3A_50 = tpu.memref_squeeze %dma_start3A_49 : memref<1x128xi32, #tpu.memory_space<vmem>> -> memref<128xi32, #tpu.memory_space<vmem>>
        %dma_start3A_51 = arith.constant 0 : i32
        %dma_start3A_52 = arith.constant 0 : i32
        %dma_start3A_53 = tpu.memref_slice %arg2[%dma_start3A_51, %dma_start3A_52] : memref<10000x128xf32, #tpu.memory_space<hbm>> -> memref<10000x128xf32, #tpu.memory_space<hbm>>
        tpu.enqueue_indirect_dma source(%dma_start3A_53 : memref<10000x128xf32, #tpu.memory_space<hbm>>) target(%arg8 : memref<128x128xf32, #tpu.memory_space<vmem>>) offsets(%dma_start3A_50 : memref<128xi32, #tpu.memory_space<vmem>>) semaphore(%run_scoped3A_48 : memref<!tpu.dma_semaphore, #tpu.memory_space<semaphore_mem>>)
        %dma_wait3A = arith.constant 0 : i32
        %dma_wait3A_54 = tpu.memref_slice %arg6[%run_scoped3A_43, %dma_wait3A] : memref<4x128xi32, #tpu.memory_space<vmem>> -> memref<1x128xi32, #tpu.memory_space<vmem>>
        %dma_wait3A_55 = tpu.memref_squeeze %dma_wait3A_54 : memref<1x128xi32, #tpu.memory_space<vmem>> -> memref<128xi32, #tpu.memory_space<vmem>>
        %dma_wait3A_56 = arith.constant 0 : i32
        %dma_wait3A_57 = arith.constant 0 : i32
        %dma_wait3A_58 = tpu.memref_slice %arg2[%dma_wait3A_56, %dma_wait3A_57] : memref<10000x128xf32, #tpu.memory_space<hbm>> -> memref<10000x128xf32, #tpu.memory_space<hbm>>
        tpu.wait_indirect_dma semaphore(%run_scoped3A_48 : memref<!tpu.dma_semaphore, #tpu.memory_space<semaphore_mem>>) src(%dma_wait3A_58 : memref<10000x128xf32, #tpu.memory_space<hbm>>) dst(%arg8 : memref<128x128xf32, #tpu.memory_space<vmem>>)
        tpu.yield
      }) : () -> ()
      %run_scoped3A_44 = arith.constant 2 : i32
      "tpu.region"() ({
        %run_scoped3A_48 = tpu.sem_alloc : memref<!tpu.dma_semaphore, #tpu.memory_space<semaphore_mem>>
        %dma_start3A = arith.constant 0 : i32
        %dma_start3A_49 = tpu.memref_slice %arg7[%run_scoped3A_44, %dma_start3A] : memref<4x128xi32, #tpu.memory_space<vmem>> -> memref<1x128xi32, #tpu.memory_space<vmem>>
        %dma_start3A_50 = tpu.memref_squeeze %dma_start3A_49 : memref<1x128xi32, #tpu.memory_space<vmem>> -> memref<128xi32, #tpu.memory_space<vmem>>
        %dma_start3A_51 = arith.constant 0 : i32
        %dma_start3A_52 = arith.constant 0 : i32
        %dma_start3A_53 = tpu.memref_slice %arg9[%dma_start3A_51, %dma_start3A_52] : memref<10112x128xf32, #tpu.memory_space<vmem_shared>> -> memref<10112x128xf32, #tpu.memory_space<vmem_shared>>
        tpu.enqueue_indirect_dma source(%arg8 : memref<128x128xf32, #tpu.memory_space<vmem>>) target(%dma_start3A_53 : memref<10112x128xf32, #tpu.memory_space<vmem_shared>>) offsets(%dma_start3A_50 : memref<128xi32, #tpu.memory_space<vmem>>) semaphore(%run_scoped3A_48 : memref<!tpu.dma_semaphore, #tpu.memory_space<semaphore_mem>>) {add = true}
        %dma_wait3A = arith.constant 0 : i32
        %dma_wait3A_54 = tpu.memref_slice %arg7[%run_scoped3A_44, %dma_wait3A] : memref<4x128xi32, #tpu.memory_space<vmem>> -> memref<1x128xi32, #tpu.memory_space<vmem>>
        %dma_wait3A_55 = tpu.memref_squeeze %dma_wait3A_54 : memref<1x128xi32, #tpu.memory_space<vmem>> -> memref<128xi32, #tpu.memory_space<vmem>>
        %dma_wait3A_56 = arith.constant 0 : i32
        %dma_wait3A_57 = arith.constant 0 : i32
        %dma_wait3A_58 = tpu.memref_slice %arg9[%dma_wait3A_56, %dma_wait3A_57] : memref<10112x128xf32, #tpu.memory_space<vmem_shared>> -> memref<10112x128xf32, #tpu.memory_space<vmem_shared>>
        tpu.wait_indirect_dma semaphore(%run_scoped3A_48 : memref<!tpu.dma_semaphore, #tpu.memory_space<semaphore_mem>>) src(%arg8 : memref<128x128xf32, #tpu.memory_space<vmem>>) dst(%dma_wait3A_58 : memref<10112x128xf32, #tpu.memory_space<vmem_shared>>)
        tpu.yield
      }) : () -> ()
      %run_scoped3A_45 = arith.constant 3 : i32
      "tpu.region"() ({
        %run_scoped3A_48 = tpu.sem_alloc : memref<!tpu.dma_semaphore, #tpu.memory_space<semaphore_mem>>
        %dma_start3A = arith.constant 0 : i32
        %dma_start3A_49 = tpu.memref_slice %arg6[%run_scoped3A_45, %dma_start3A] : memref<4x128xi32, #tpu.memory_space<vmem>> -> memref<1x128xi32, #tpu.memory_space<vmem>>
        %dma_start3A_50 = tpu.memref_squeeze %dma_start3A_49 : memref<1x128xi32, #tpu.memory_space<vmem>> -> memref<128xi32, #tpu.memory_space<vmem>>
        %dma_start3A_51 = arith.constant 0 : i32
        %dma_start3A_52 = arith.constant 0 : i32
        %dma_start3A_53 = tpu.memref_slice %arg2[%dma_start3A_51, %dma_start3A_52] : memref<10000x128xf32, #tpu.memory_space<hbm>> -> memref<10000x128xf32, #tpu.memory_space<hbm>>
        tpu.enqueue_indirect_dma source(%dma_start3A_53 : memref<10000x128xf32, #tpu.memory_space<hbm>>) target(%arg8 : memref<128x128xf32, #tpu.memory_space<vmem>>) offsets(%dma_start3A_50 : memref<128xi32, #tpu.memory_space<vmem>>) semaphore(%run_scoped3A_48 : memref<!tpu.dma_semaphore, #tpu.memory_space<semaphore_mem>>)
        %dma_wait3A = arith.constant 0 : i32
        %dma_wait3A_54 = tpu.memref_slice %arg6[%run_scoped3A_45, %dma_wait3A] : memref<4x128xi32, #tpu.memory_space<vmem>> -> memref<1x128xi32, #tpu.memory_space<vmem>>
        %dma_wait3A_55 = tpu.memref_squeeze %dma_wait3A_54 : memref<1x128xi32, #tpu.memory_space<vmem>> -> memref<128xi32, #tpu.memory_space<vmem>>
        %dma_wait3A_56 = arith.constant 0 : i32
        %dma_wait3A_57 = arith.constant 0 : i32
        %dma_wait3A_58 = tpu.memref_slice %arg2[%dma_wait3A_56, %dma_wait3A_57] : memref<10000x128xf32, #tpu.memory_space<hbm>> -> memref<10000x128xf32, #tpu.memory_space<hbm>>
        tpu.wait_indirect_dma semaphore(%run_scoped3A_48 : memref<!tpu.dma_semaphore, #tpu.memory_space<semaphore_mem>>) src(%dma_wait3A_58 : memref<10000x128xf32, #tpu.memory_space<hbm>>) dst(%arg8 : memref<128x128xf32, #tpu.memory_space<vmem>>)
        tpu.yield
      }) : () -> ()
      %run_scoped3A_46 = arith.constant 3 : i32
      "tpu.region"() ({
        %run_scoped3A_48 = tpu.sem_alloc : memref<!tpu.dma_semaphore, #tpu.memory_space<semaphore_mem>>
        %dma_start3A = arith.constant 0 : i32
        %dma_start3A_49 = tpu.memref_slice %arg7[%run_scoped3A_46, %dma_start3A] : memref<4x128xi32, #tpu.memory_space<vmem>> -> memref<1x128xi32, #tpu.memory_space<vmem>>
        %dma_start3A_50 = tpu.memref_squeeze %dma_start3A_49 : memref<1x128xi32, #tpu.memory_space<vmem>> -> memref<128xi32, #tpu.memory_space<vmem>>
        %dma_start3A_51 = arith.constant 0 : i32
        %dma_start3A_52 = arith.constant 0 : i32
        %dma_start3A_53 = tpu.memref_slice %arg9[%dma_start3A_51, %dma_start3A_52] : memref<10112x128xf32, #tpu.memory_space<vmem_shared>> -> memref<10112x128xf32, #tpu.memory_space<vmem_shared>>
        tpu.enqueue_indirect_dma source(%arg8 : memref<128x128xf32, #tpu.memory_space<vmem>>) target(%dma_start3A_53 : memref<10112x128xf32, #tpu.memory_space<vmem_shared>>) offsets(%dma_start3A_50 : memref<128xi32, #tpu.memory_space<vmem>>) semaphore(%run_scoped3A_48 : memref<!tpu.dma_semaphore, #tpu.memory_space<semaphore_mem>>) {add = true}
        %dma_wait3A = arith.constant 0 : i32
        %dma_wait3A_54 = tpu.memref_slice %arg7[%run_scoped3A_46, %dma_wait3A] : memref<4x128xi32, #tpu.memory_space<vmem>> -> memref<1x128xi32, #tpu.memory_space<vmem>>
        %dma_wait3A_55 = tpu.memref_squeeze %dma_wait3A_54 : memref<1x128xi32, #tpu.memory_space<vmem>> -> memref<128xi32, #tpu.memory_space<vmem>>
        %dma_wait3A_56 = arith.constant 0 : i32
        %dma_wait3A_57 = arith.constant 0 : i32
        %dma_wait3A_58 = tpu.memref_slice %arg9[%dma_wait3A_56, %dma_wait3A_57] : memref<10112x128xf32, #tpu.memory_space<vmem_shared>> -> memref<10112x128xf32, #tpu.memory_space<vmem_shared>>
        tpu.wait_indirect_dma semaphore(%run_scoped3A_48 : memref<!tpu.dma_semaphore, #tpu.memory_space<semaphore_mem>>) src(%arg8 : memref<128x128xf32, #tpu.memory_space<vmem>>) dst(%dma_wait3A_58 : memref<10112x128xf32, #tpu.memory_space<vmem_shared>>)
        tpu.yield
      }) : () -> ()
      %scan3A_47 = arith.constant 0 : i32
      scf.yield %scan3A_47 : i32
    }
    %scan3A_26 = arith.constant 20 : i32
    %barrier3A_27 = arith.constant 0 : index
    tpu.barrier barrier_id(%barrier3A_27)
    %mul3A_28 = arith.constant 632 : i32
    %mul3A_29 = arith.muli %arg1, %mul3A_28 : i32
    %mul3A_30 = arith.constant 632 : i32
    %mul3A_31 = arith.muli %arg1, %mul3A_30 : i32
    "tpu.region"() ({
      %run_scoped3A = tpu.sem_alloc : memref<!tpu.dma_semaphore, #tpu.memory_space<semaphore_mem>>
      %dma_start3A = arith.constant 0 : i32
      %dma_start3A_32 = tpu.memref_slice %arg5[%arg0, %mul3A_31, %dma_start3A] : memref<2x10112x128xf32, #tpu.memory_space<hbm>> -> memref<1x632x128xf32, #tpu.memory_space<hbm>>
      %dma_start3A_33 = tpu.memref_squeeze %dma_start3A_32 : memref<1x632x128xf32, #tpu.memory_space<hbm>> -> memref<632x128xf32, #tpu.memory_space<hbm>>
      %dma_start3A_34 = arith.constant 0 : i32
      %dma_start3A_35 = tpu.memref_slice %arg9[%mul3A_29, %dma_start3A_34] : memref<10112x128xf32, #tpu.memory_space<vmem_shared>> -> memref<632x128xf32, #tpu.memory_space<vmem_shared>>
      tpu.enqueue_dma source(%dma_start3A_35 : memref<632x128xf32, #tpu.memory_space<vmem_shared>>) target(%dma_start3A_33 : memref<632x128xf32, #tpu.memory_space<hbm>>) target_semaphore(%run_scoped3A : memref<!tpu.dma_semaphore, #tpu.memory_space<semaphore_mem>>)
      %dma_wait3A = arith.constant 0 : i32
      %dma_wait3A_36 = tpu.memref_slice %arg5[%arg0, %mul3A_31, %dma_wait3A] : memref<2x10112x128xf32, #tpu.memory_space<hbm>> -> memref<1x632x128xf32, #tpu.memory_space<hbm>>
      %dma_wait3A_37 = tpu.memref_squeeze %dma_wait3A_36 : memref<1x632x128xf32, #tpu.memory_space<hbm>> -> memref<632x128xf32, #tpu.memory_space<hbm>>
      %dma_wait3A_38 = arith.constant 0 : i32
      %dma_wait3A_39 = tpu.memref_slice %arg9[%mul3A_29, %dma_wait3A_38] : memref<10112x128xf32, #tpu.memory_space<vmem_shared>> -> memref<632x128xf32, #tpu.memory_space<vmem_shared>>
      tpu.wait_dma2 semaphore(%run_scoped3A : memref<!tpu.dma_semaphore, #tpu.memory_space<semaphore_mem>>) src(%dma_wait3A_39 : memref<632x128xf32, #tpu.memory_space<vmem_shared>>) dst(%dma_wait3A_37 : memref<632x128xf32, #tpu.memory_space<hbm>>)
      tpu.yield
    }) : () -> ()
    return
  }
}

#map = affine_map<(d0, d1) -> (0, 0, 0)>
module attributes {stable_mosaic.version = 14 : i64} {
  func.func @_deg_body(%arg0: i32, %arg1: i32, %arg2: memref<640x4x128xi32, #tpu.memory_space<hbm>>, %arg3: memref<2x10112x128xf32, #tpu.memory_space<hbm>>, %arg4: memref<4x128xi32, #tpu.memory_space<vmem>>, %arg5: memref<128x128xf32, #tpu.memory_space<vmem>>, %arg6: memref<10112x128xf32, #tpu.memory_space<vmem_shared>>) attributes {dimension_semantics = [#tpu.dimension_semantics<core_parallel>, #tpu.dimension_semantics<subcore_parallel>], iteration_bounds = array<i64: 2, 16>, scalar_prefetch = 0 : i64, scratch_operands = 3 : i64, tpu.core_type = #tpu.core_type<sc_vector_subcore>, window_params = [{transform_indices = #map}, {transform_indices = #map}]} {
    %mul3A = arith.constant 16 : i32
    %mul3A_0 = arith.muli %arg0, %mul3A : i32
    %add3A = arith.addi %mul3A_0, %arg1 : i32
    %broadcast_in_dim3A = arith.constant 1.000000e+00 : f32
    %broadcast_in_dim3A_1 = vector.broadcast %broadcast_in_dim3A : f32 to vector<16xf32>
    %broadcast_in_dim3A_2 = arith.constant 0.000000e+00 : f32
    %broadcast_in_dim3A_3 = vector.broadcast %broadcast_in_dim3A_2 : f32 to vector<16xf32>
    %scan3A = arith.constant 0 : i32
    %scan3A_4 = arith.constant 0 : i32
    %scan3A_5 = arith.constant 128 : i32
    %scan3A_6 = arith.addi %scan3A_4, %scan3A_5 : i32
    %scan3A_7 = arith.constant 1 : i32
    %scan3A_8 = scf.for %scan3A_41 = %scan3A_4 to %scan3A_6 step %scan3A_7 iter_args(%scan3A_42 = %scan3A) -> (i32)  : i32 {
      %swap3A = arith.index_cast %scan3A_41 : i32 to index
      %swap3A_43 = arith.constant 0 : index
      %swap3A_44 = tpu.vector_load %arg5[%swap3A, %swap3A_43] {strides = array<i32>} : memref<128x128xf32, #tpu.memory_space<vmem>>, vector<1x16xf32>,
      %swap3A_45 = vector.shape_cast %swap3A_44 : vector<1x16xf32> to vector<16xf32>
      %swap3A_46 = vector.shape_cast %broadcast_in_dim3A_3 : vector<16xf32> to vector<1x16xf32>
      tpu.vector_store %arg5[%swap3A, %swap3A_43], %swap3A_46 {strides = array<i32>} : memref<128x128xf32, #tpu.memory_space<vmem>>, vector<1x16xf32>,
      %swap3A_47 = arith.index_cast %scan3A_41 : i32 to index
      %swap3A_48 = arith.constant 16 : index
      %swap3A_49 = tpu.vector_load %arg5[%swap3A_47, %swap3A_48] {strides = array<i32>} : memref<128x128xf32, #tpu.memory_space<vmem>>, vector<1x16xf32>,
      %swap3A_50 = vector.shape_cast %swap3A_49 : vector<1x16xf32> to vector<16xf32>
      %swap3A_51 = vector.shape_cast %broadcast_in_dim3A_3 : vector<16xf32> to vector<1x16xf32>
      tpu.vector_store %arg5[%swap3A_47, %swap3A_48], %swap3A_51 {strides = array<i32>} : memref<128x128xf32, #tpu.memory_space<vmem>>, vector<1x16xf32>,
      %swap3A_52 = arith.index_cast %scan3A_41 : i32 to index
      %swap3A_53 = arith.constant 32 : index
      %swap3A_54 = tpu.vector_load %arg5[%swap3A_52, %swap3A_53] {strides = array<i32>} : memref<128x128xf32, #tpu.memory_space<vmem>>, vector<1x16xf32>,
      %swap3A_55 = vector.shape_cast %swap3A_54 : vector<1x16xf32> to vector<16xf32>
      %swap3A_56 = vector.shape_cast %broadcast_in_dim3A_3 : vector<16xf32> to vector<1x16xf32>
      tpu.vector_store %arg5[%swap3A_52, %swap3A_53], %swap3A_56 {strides = array<i32>} : memref<128x128xf32, #tpu.memory_space<vmem>>, vector<1x16xf32>,
      %swap3A_57 = arith.index_cast %scan3A_41 : i32 to index
      %swap3A_58 = arith.constant 48 : index
      %swap3A_59 = tpu.vector_load %arg5[%swap3A_57, %swap3A_58] {strides = array<i32>} : memref<128x128xf32, #tpu.memory_space<vmem>>, vector<1x16xf32>,
      %swap3A_60 = vector.shape_cast %swap3A_59 : vector<1x16xf32> to vector<16xf32>
      %swap3A_61 = vector.shape_cast %broadcast_in_dim3A_3 : vector<16xf32> to vector<1x16xf32>
      tpu.vector_store %arg5[%swap3A_57, %swap3A_58], %swap3A_61 {strides = array<i32>} : memref<128x128xf32, #tpu.memory_space<vmem>>, vector<1x16xf32>,
      %swap3A_62 = arith.index_cast %scan3A_41 : i32 to index
      %swap3A_63 = arith.constant 64 : index
      %swap3A_64 = tpu.vector_load %arg5[%swap3A_62, %swap3A_63] {strides = array<i32>} : memref<128x128xf32, #tpu.memory_space<vmem>>, vector<1x16xf32>,
      %swap3A_65 = vector.shape_cast %swap3A_64 : vector<1x16xf32> to vector<16xf32>
      %swap3A_66 = vector.shape_cast %broadcast_in_dim3A_3 : vector<16xf32> to vector<1x16xf32>
      tpu.vector_store %arg5[%swap3A_62, %swap3A_63], %swap3A_66 {strides = array<i32>} : memref<128x128xf32, #tpu.memory_space<vmem>>, vector<1x16xf32>,
      %swap3A_67 = arith.index_cast %scan3A_41 : i32 to index
      %swap3A_68 = arith.constant 80 : index
      %swap3A_69 = tpu.vector_load %arg5[%swap3A_67, %swap3A_68] {strides = array<i32>} : memref<128x128xf32, #tpu.memory_space<vmem>>, vector<1x16xf32>,
      %swap3A_70 = vector.shape_cast %swap3A_69 : vector<1x16xf32> to vector<16xf32>
      %swap3A_71 = vector.shape_cast %broadcast_in_dim3A_3 : vector<16xf32> to vector<1x16xf32>
      tpu.vector_store %arg5[%swap3A_67, %swap3A_68], %swap3A_71 {strides = array<i32>} : memref<128x128xf32, #tpu.memory_space<vmem>>, vector<1x16xf32>,
      %swap3A_72 = arith.index_cast %scan3A_41 : i32 to index
      %swap3A_73 = arith.constant 96 : index
      %swap3A_74 = tpu.vector_load %arg5[%swap3A_72, %swap3A_73] {strides = array<i32>} : memref<128x128xf32, #tpu.memory_space<vmem>>, vector<1x16xf32>,
      %swap3A_75 = vector.shape_cast %swap3A_74 : vector<1x16xf32> to vector<16xf32>
      %swap3A_76 = vector.shape_cast %broadcast_in_dim3A_3 : vector<16xf32> to vector<1x16xf32>
      tpu.vector_store %arg5[%swap3A_72, %swap3A_73], %swap3A_76 {strides = array<i32>} : memref<128x128xf32, #tpu.memory_space<vmem>>, vector<1x16xf32>,
      %swap3A_77 = arith.index_cast %scan3A_41 : i32 to index
      %swap3A_78 = arith.constant 112 : index
      %swap3A_79 = tpu.vector_load %arg5[%swap3A_77, %swap3A_78] {strides = array<i32>} : memref<128x128xf32, #tpu.memory_space<vmem>>, vector<1x16xf32>,
      %swap3A_80 = vector.shape_cast %swap3A_79 : vector<1x16xf32> to vector<16xf32>
      %swap3A_81 = vector.shape_cast %broadcast_in_dim3A_3 : vector<16xf32> to vector<1x16xf32>
      tpu.vector_store %arg5[%swap3A_77, %swap3A_78], %swap3A_81 {strides = array<i32>} : memref<128x128xf32, #tpu.memory_space<vmem>>, vector<1x16xf32>,
      %scan3A_82 = arith.constant 0 : i32
      scf.yield %scan3A_82 : i32
    }
    %scan3A_9 = arith.constant 128 : i32
    %mul3A_10 = arith.constant 632 : i32
    %mul3A_11 = arith.muli %arg1, %mul3A_10 : i32
    %add3A_12 = arith.constant 0 : i32
    %add3A_13 = arith.addi %mul3A_11, %add3A_12 : i32
    "tpu.region"() ({
      %run_scoped3A = tpu.sem_alloc : memref<!tpu.dma_semaphore, #tpu.memory_space<semaphore_mem>>
      %dma_start3A = arith.constant 0 : i32
      %dma_start3A_41 = tpu.memref_slice %arg6[%add3A_13, %dma_start3A] : memref<10112x128xf32, #tpu.memory_space<vmem_shared>> -> memref<128x128xf32, #tpu.memory_space<vmem_shared>>
      %dma_start3A_42 = arith.constant 0 : i32
      %dma_start3A_43 = tpu.memref_slice %arg6[%add3A_13, %dma_start3A_42] : memref<10112x128xf32, #tpu.memory_space<vmem_shared>> -> memref<128x128xf32, #tpu.memory_space<vmem_shared>>
      tpu.enqueue_dma source(%arg5 : memref<128x128xf32, #tpu.memory_space<vmem>>) target(%dma_start3A_43 : memref<128x128xf32, #tpu.memory_space<vmem_shared>>) target_semaphore(%run_scoped3A : memref<!tpu.dma_semaphore, #tpu.memory_space<semaphore_mem>>)
      %dma_wait3A = arith.constant 0 : i32
      %dma_wait3A_44 = tpu.memref_slice %arg6[%add3A_13, %dma_wait3A] : memref<10112x128xf32, #tpu.memory_space<vmem_shared>> -> memref<128x128xf32, #tpu.memory_space<vmem_shared>>
      %dma_wait3A_45 = arith.constant 0 : i32
      %dma_wait3A_46 = tpu.memref_slice %arg6[%add3A_13, %dma_wait3A_45] : memref<10112x128xf32, #tpu.memory_space<vmem_shared>> -> memref<128x128xf32, #tpu.memory_space<vmem_shared>>
      tpu.wait_dma2 semaphore(%run_scoped3A : memref<!tpu.dma_semaphore, #tpu.memory_space<semaphore_mem>>) src(%arg5 : memref<128x128xf32, #tpu.memory_space<vmem>>) dst(%dma_wait3A_46 : memref<128x128xf32, #tpu.memory_space<vmem_shared>>)
      tpu.yield
    }) : () -> ()
    %add3A_14 = arith.constant 128 : i32
    %add3A_15 = arith.addi %mul3A_11, %add3A_14 : i32
    "tpu.region"() ({
      %run_scoped3A = tpu.sem_alloc : memref<!tpu.dma_semaphore, #tpu.memory_space<semaphore_mem>>
      %dma_start3A = arith.constant 0 : i32
      %dma_start3A_41 = tpu.memref_slice %arg6[%add3A_15, %dma_start3A] : memref<10112x128xf32, #tpu.memory_space<vmem_shared>> -> memref<128x128xf32, #tpu.memory_space<vmem_shared>>
      %dma_start3A_42 = arith.constant 0 : i32
      %dma_start3A_43 = tpu.memref_slice %arg6[%add3A_15, %dma_start3A_42] : memref<10112x128xf32, #tpu.memory_space<vmem_shared>> -> memref<128x128xf32, #tpu.memory_space<vmem_shared>>
      tpu.enqueue_dma source(%arg5 : memref<128x128xf32, #tpu.memory_space<vmem>>) target(%dma_start3A_43 : memref<128x128xf32, #tpu.memory_space<vmem_shared>>) target_semaphore(%run_scoped3A : memref<!tpu.dma_semaphore, #tpu.memory_space<semaphore_mem>>)
      %dma_wait3A = arith.constant 0 : i32
      %dma_wait3A_44 = tpu.memref_slice %arg6[%add3A_15, %dma_wait3A] : memref<10112x128xf32, #tpu.memory_space<vmem_shared>> -> memref<128x128xf32, #tpu.memory_space<vmem_shared>>
      %dma_wait3A_45 = arith.constant 0 : i32
      %dma_wait3A_46 = tpu.memref_slice %arg6[%add3A_15, %dma_wait3A_45] : memref<10112x128xf32, #tpu.memory_space<vmem_shared>> -> memref<128x128xf32, #tpu.memory_space<vmem_shared>>
      tpu.wait_dma2 semaphore(%run_scoped3A : memref<!tpu.dma_semaphore, #tpu.memory_space<semaphore_mem>>) src(%arg5 : memref<128x128xf32, #tpu.memory_space<vmem>>) dst(%dma_wait3A_46 : memref<128x128xf32, #tpu.memory_space<vmem_shared>>)
      tpu.yield
    }) : () -> ()
    %add3A_16 = arith.constant 256 : i32
    %add3A_17 = arith.addi %mul3A_11, %add3A_16 : i32
    "tpu.region"() ({
      %run_scoped3A = tpu.sem_alloc : memref<!tpu.dma_semaphore, #tpu.memory_space<semaphore_mem>>
      %dma_start3A = arith.constant 0 : i32
      %dma_start3A_41 = tpu.memref_slice %arg6[%add3A_17, %dma_start3A] : memref<10112x128xf32, #tpu.memory_space<vmem_shared>> -> memref<128x128xf32, #tpu.memory_space<vmem_shared>>
      %dma_start3A_42 = arith.constant 0 : i32
      %dma_start3A_43 = tpu.memref_slice %arg6[%add3A_17, %dma_start3A_42] : memref<10112x128xf32, #tpu.memory_space<vmem_shared>> -> memref<128x128xf32, #tpu.memory_space<vmem_shared>>
      tpu.enqueue_dma source(%arg5 : memref<128x128xf32, #tpu.memory_space<vmem>>) target(%dma_start3A_43 : memref<128x128xf32, #tpu.memory_space<vmem_shared>>) target_semaphore(%run_scoped3A : memref<!tpu.dma_semaphore, #tpu.memory_space<semaphore_mem>>)
      %dma_wait3A = arith.constant 0 : i32
      %dma_wait3A_44 = tpu.memref_slice %arg6[%add3A_17, %dma_wait3A] : memref<10112x128xf32, #tpu.memory_space<vmem_shared>> -> memref<128x128xf32, #tpu.memory_space<vmem_shared>>
      %dma_wait3A_45 = arith.constant 0 : i32
      %dma_wait3A_46 = tpu.memref_slice %arg6[%add3A_17, %dma_wait3A_45] : memref<10112x128xf32, #tpu.memory_space<vmem_shared>> -> memref<128x128xf32, #tpu.memory_space<vmem_shared>>
      tpu.wait_dma2 semaphore(%run_scoped3A : memref<!tpu.dma_semaphore, #tpu.memory_space<semaphore_mem>>) src(%arg5 : memref<128x128xf32, #tpu.memory_space<vmem>>) dst(%dma_wait3A_46 : memref<128x128xf32, #tpu.memory_space<vmem_shared>>)
      tpu.yield
    }) : () -> ()
    %add3A_18 = arith.constant 384 : i32
    %add3A_19 = arith.addi %mul3A_11, %add3A_18 : i32
    "tpu.region"() ({
      %run_scoped3A = tpu.sem_alloc : memref<!tpu.dma_semaphore, #tpu.memory_space<semaphore_mem>>
      %dma_start3A = arith.constant 0 : i32
      %dma_start3A_41 = tpu.memref_slice %arg6[%add3A_19, %dma_start3A] : memref<10112x128xf32, #tpu.memory_space<vmem_shared>> -> memref<128x128xf32, #tpu.memory_space<vmem_shared>>
      %dma_start3A_42 = arith.constant 0 : i32
      %dma_start3A_43 = tpu.memref_slice %arg6[%add3A_19, %dma_start3A_42] : memref<10112x128xf32, #tpu.memory_space<vmem_shared>> -> memref<128x128xf32, #tpu.memory_space<vmem_shared>>
      tpu.enqueue_dma source(%arg5 : memref<128x128xf32, #tpu.memory_space<vmem>>) target(%dma_start3A_43 : memref<128x128xf32, #tpu.memory_space<vmem_shared>>) target_semaphore(%run_scoped3A : memref<!tpu.dma_semaphore, #tpu.memory_space<semaphore_mem>>)
      %dma_wait3A = arith.constant 0 : i32
      %dma_wait3A_44 = tpu.memref_slice %arg6[%add3A_19, %dma_wait3A] : memref<10112x128xf32, #tpu.memory_space<vmem_shared>> -> memref<128x128xf32, #tpu.memory_space<vmem_shared>>
      %dma_wait3A_45 = arith.constant 0 : i32
      %dma_wait3A_46 = tpu.memref_slice %arg6[%add3A_19, %dma_wait3A_45] : memref<10112x128xf32, #tpu.memory_space<vmem_shared>> -> memref<128x128xf32, #tpu.memory_space<vmem_shared>>
      tpu.wait_dma2 semaphore(%run_scoped3A : memref<!tpu.dma_semaphore, #tpu.memory_space<semaphore_mem>>) src(%arg5 : memref<128x128xf32, #tpu.memory_space<vmem>>) dst(%dma_wait3A_46 : memref<128x128xf32, #tpu.memory_space<vmem_shared>>)
      tpu.yield
    }) : () -> ()
    %add3A_20 = arith.constant 512 : i32
    %add3A_21 = arith.addi %mul3A_11, %add3A_20 : i32
    "tpu.region"() ({
      %run_scoped3A = tpu.sem_alloc : memref<!tpu.dma_semaphore, #tpu.memory_space<semaphore_mem>>
      %dma_start3A = arith.constant 0 : i32
      %dma_start3A_41 = arith.constant 0 : i32
      %dma_start3A_42 = tpu.memref_slice %arg5[%dma_start3A, %dma_start3A_41] : memref<128x128xf32, #tpu.memory_space<vmem>> -> memref<120x128xf32, #tpu.memory_space<vmem>>
      %dma_start3A_43 = arith.constant 0 : i32
      %dma_start3A_44 = tpu.memref_slice %arg6[%add3A_21, %dma_start3A_43] : memref<10112x128xf32, #tpu.memory_space<vmem_shared>> -> memref<120x128xf32, #tpu.memory_space<vmem_shared>>
      %dma_start3A_45 = arith.constant 0 : i32
      %dma_start3A_46 = tpu.memref_slice %arg6[%add3A_21, %dma_start3A_45] : memref<10112x128xf32, #tpu.memory_space<vmem_shared>> -> memref<120x128xf32, #tpu.memory_space<vmem_shared>>
      %dma_start3A_47 = arith.constant 0 : i32
      %dma_start3A_48 = arith.constant 0 : i32
      %dma_start3A_49 = tpu.memref_slice %arg5[%dma_start3A_47, %dma_start3A_48] : memref<128x128xf32, #tpu.memory_space<vmem>> -> memref<120x128xf32, #tpu.memory_space<vmem>>
      tpu.enqueue_dma source(%dma_start3A_49 : memref<120x128xf32, #tpu.memory_space<vmem>>) target(%dma_start3A_46 : memref<120x128xf32, #tpu.memory_space<vmem_shared>>) target_semaphore(%run_scoped3A : memref<!tpu.dma_semaphore, #tpu.memory_space<semaphore_mem>>)
      %dma_wait3A = arith.constant 0 : i32
      %dma_wait3A_50 = arith.constant 0 : i32
      %dma_wait3A_51 = tpu.memref_slice %arg5[%dma_wait3A, %dma_wait3A_50] : memref<128x128xf32, #tpu.memory_space<vmem>> -> memref<120x128xf32, #tpu.memory_space<vmem>>
      %dma_wait3A_52 = arith.constant 0 : i32
      %dma_wait3A_53 = tpu.memref_slice %arg6[%add3A_21, %dma_wait3A_52] : memref<10112x128xf32, #tpu.memory_space<vmem_shared>> -> memref<120x128xf32, #tpu.memory_space<vmem_shared>>
      %dma_wait3A_54 = arith.constant 0 : i32
      %dma_wait3A_55 = tpu.memref_slice %arg6[%add3A_21, %dma_wait3A_54] : memref<10112x128xf32, #tpu.memory_space<vmem_shared>> -> memref<120x128xf32, #tpu.memory_space<vmem_shared>>
      %dma_wait3A_56 = arith.constant 0 : i32
      %dma_wait3A_57 = arith.constant 0 : i32
      %dma_wait3A_58 = tpu.memref_slice %arg5[%dma_wait3A_56, %dma_wait3A_57] : memref<128x128xf32, #tpu.memory_space<vmem>> -> memref<120x128xf32, #tpu.memory_space<vmem>>
      tpu.wait_dma2 semaphore(%run_scoped3A : memref<!tpu.dma_semaphore, #tpu.memory_space<semaphore_mem>>) src(%dma_wait3A_58 : memref<120x128xf32, #tpu.memory_space<vmem>>) dst(%dma_wait3A_55 : memref<120x128xf32, #tpu.memory_space<vmem_shared>>)
      tpu.yield
    }) : () -> ()
    %scan3A_22 = arith.constant 0 : i32
    %scan3A_23 = arith.constant 0 : i32
    %scan3A_24 = arith.constant 128 : i32
    %scan3A_25 = arith.addi %scan3A_23, %scan3A_24 : i32
    %scan3A_26 = arith.constant 1 : i32
    %scan3A_27 = scf.for %scan3A_41 = %scan3A_23 to %scan3A_25 step %scan3A_26 iter_args(%scan3A_42 = %scan3A_22) -> (i32)  : i32 {
      %swap3A = arith.index_cast %scan3A_41 : i32 to index
      %swap3A_43 = arith.constant 0 : index
      %swap3A_44 = tpu.vector_load %arg5[%swap3A, %swap3A_43] {strides = array<i32>} : memref<128x128xf32, #tpu.memory_space<vmem>>, vector<1x16xf32>,
      %swap3A_45 = vector.shape_cast %swap3A_44 : vector<1x16xf32> to vector<16xf32>
      %swap3A_46 = vector.shape_cast %broadcast_in_dim3A_1 : vector<16xf32> to vector<1x16xf32>
      tpu.vector_store %arg5[%swap3A, %swap3A_43], %swap3A_46 {strides = array<i32>} : memref<128x128xf32, #tpu.memory_space<vmem>>, vector<1x16xf32>,
      %swap3A_47 = arith.index_cast %scan3A_41 : i32 to index
      %swap3A_48 = arith.constant 16 : index
      %swap3A_49 = tpu.vector_load %arg5[%swap3A_47, %swap3A_48] {strides = array<i32>} : memref<128x128xf32, #tpu.memory_space<vmem>>, vector<1x16xf32>,
      %swap3A_50 = vector.shape_cast %swap3A_49 : vector<1x16xf32> to vector<16xf32>
      %swap3A_51 = vector.shape_cast %broadcast_in_dim3A_1 : vector<16xf32> to vector<1x16xf32>
      tpu.vector_store %arg5[%swap3A_47, %swap3A_48], %swap3A_51 {strides = array<i32>} : memref<128x128xf32, #tpu.memory_space<vmem>>, vector<1x16xf32>,
      %swap3A_52 = arith.index_cast %scan3A_41 : i32 to index
      %swap3A_53 = arith.constant 32 : index
      %swap3A_54 = tpu.vector_load %arg5[%swap3A_52, %swap3A_53] {strides = array<i32>} : memref<128x128xf32, #tpu.memory_space<vmem>>, vector<1x16xf32>,
      %swap3A_55 = vector.shape_cast %swap3A_54 : vector<1x16xf32> to vector<16xf32>
      %swap3A_56 = vector.shape_cast %broadcast_in_dim3A_1 : vector<16xf32> to vector<1x16xf32>
      tpu.vector_store %arg5[%swap3A_52, %swap3A_53], %swap3A_56 {strides = array<i32>} : memref<128x128xf32, #tpu.memory_space<vmem>>, vector<1x16xf32>,
      %swap3A_57 = arith.index_cast %scan3A_41 : i32 to index
      %swap3A_58 = arith.constant 48 : index
      %swap3A_59 = tpu.vector_load %arg5[%swap3A_57, %swap3A_58] {strides = array<i32>} : memref<128x128xf32, #tpu.memory_space<vmem>>, vector<1x16xf32>,
      %swap3A_60 = vector.shape_cast %swap3A_59 : vector<1x16xf32> to vector<16xf32>
      %swap3A_61 = vector.shape_cast %broadcast_in_dim3A_1 : vector<16xf32> to vector<1x16xf32>
      tpu.vector_store %arg5[%swap3A_57, %swap3A_58], %swap3A_61 {strides = array<i32>} : memref<128x128xf32, #tpu.memory_space<vmem>>, vector<1x16xf32>,
      %swap3A_62 = arith.index_cast %scan3A_41 : i32 to index
      %swap3A_63 = arith.constant 64 : index
      %swap3A_64 = tpu.vector_load %arg5[%swap3A_62, %swap3A_63] {strides = array<i32>} : memref<128x128xf32, #tpu.memory_space<vmem>>, vector<1x16xf32>,
      %swap3A_65 = vector.shape_cast %swap3A_64 : vector<1x16xf32> to vector<16xf32>
      %swap3A_66 = vector.shape_cast %broadcast_in_dim3A_1 : vector<16xf32> to vector<1x16xf32>
      tpu.vector_store %arg5[%swap3A_62, %swap3A_63], %swap3A_66 {strides = array<i32>} : memref<128x128xf32, #tpu.memory_space<vmem>>, vector<1x16xf32>,
      %swap3A_67 = arith.index_cast %scan3A_41 : i32 to index
      %swap3A_68 = arith.constant 80 : index
      %swap3A_69 = tpu.vector_load %arg5[%swap3A_67, %swap3A_68] {strides = array<i32>} : memref<128x128xf32, #tpu.memory_space<vmem>>, vector<1x16xf32>,
      %swap3A_70 = vector.shape_cast %swap3A_69 : vector<1x16xf32> to vector<16xf32>
      %swap3A_71 = vector.shape_cast %broadcast_in_dim3A_1 : vector<16xf32> to vector<1x16xf32>
      tpu.vector_store %arg5[%swap3A_67, %swap3A_68], %swap3A_71 {strides = array<i32>} : memref<128x128xf32, #tpu.memory_space<vmem>>, vector<1x16xf32>,
      %swap3A_72 = arith.index_cast %scan3A_41 : i32 to index
      %swap3A_73 = arith.constant 96 : index
      %swap3A_74 = tpu.vector_load %arg5[%swap3A_72, %swap3A_73] {strides = array<i32>} : memref<128x128xf32, #tpu.memory_space<vmem>>, vector<1x16xf32>,
      %swap3A_75 = vector.shape_cast %swap3A_74 : vector<1x16xf32> to vector<16xf32>
      %swap3A_76 = vector.shape_cast %broadcast_in_dim3A_1 : vector<16xf32> to vector<1x16xf32>
      tpu.vector_store %arg5[%swap3A_72, %swap3A_73], %swap3A_76 {strides = array<i32>} : memref<128x128xf32, #tpu.memory_space<vmem>>, vector<1x16xf32>,
      %swap3A_77 = arith.index_cast %scan3A_41 : i32 to index
      %swap3A_78 = arith.constant 112 : index
      %swap3A_79 = tpu.vector_load %arg5[%swap3A_77, %swap3A_78] {strides = array<i32>} : memref<128x128xf32, #tpu.memory_space<vmem>>, vector<1x16xf32>,
      %swap3A_80 = vector.shape_cast %swap3A_79 : vector<1x16xf32> to vector<16xf32>
      %swap3A_81 = vector.shape_cast %broadcast_in_dim3A_1 : vector<16xf32> to vector<1x16xf32>
      tpu.vector_store %arg5[%swap3A_77, %swap3A_78], %swap3A_81 {strides = array<i32>} : memref<128x128xf32, #tpu.memory_space<vmem>>, vector<1x16xf32>,
      %scan3A_82 = arith.constant 0 : i32
      scf.yield %scan3A_82 : i32
    }
    %scan3A_28 = arith.constant 128 : i32
    %barrier3A = arith.constant 0 : index
    tpu.barrier barrier_id(%barrier3A)
    %scan3A_29 = arith.constant 0 : i32
    %scan3A_30 = arith.constant 0 : i32
    %scan3A_31 = arith.constant 20 : i32
    %scan3A_32 = arith.addi %scan3A_30, %scan3A_31 : i32
    %scan3A_33 = arith.constant 1 : i32
    %scan3A_34 = scf.for %scan3A_41 = %scan3A_30 to %scan3A_32 step %scan3A_33 iter_args(%scan3A_42 = %scan3A_29) -> (i32)  : i32 {
      %mul3A_43 = arith.constant 20 : i32
      %mul3A_44 = arith.muli %add3A, %mul3A_43 : i32
      %add3A_45 = arith.addi %mul3A_44, %scan3A_41 : i32
      "tpu.region"() ({
        %run_scoped3A_50 = tpu.sem_alloc : memref<!tpu.dma_semaphore, #tpu.memory_space<semaphore_mem>>
        %dma_start3A = arith.constant 0 : i32
        %dma_start3A_51 = arith.constant 0 : i32
        %dma_start3A_52 = tpu.memref_slice %arg2[%add3A_45, %dma_start3A, %dma_start3A_51] : memref<640x4x128xi32, #tpu.memory_space<hbm>> -> memref<1x4x128xi32, #tpu.memory_space<hbm>>
        %dma_start3A_53 = tpu.memref_squeeze %dma_start3A_52 : memref<1x4x128xi32, #tpu.memory_space<hbm>> -> memref<4x128xi32, #tpu.memory_space<hbm>>
        %dma_start3A_54 = arith.constant 0 : i32
        %dma_start3A_55 = arith.constant 0 : i32
        %dma_start3A_56 = tpu.memref_slice %arg2[%add3A_45, %dma_start3A_54, %dma_start3A_55] : memref<640x4x128xi32, #tpu.memory_space<hbm>> -> memref<1x4x128xi32, #tpu.memory_space<hbm>>
        %dma_start3A_57 = tpu.memref_squeeze %dma_start3A_56 : memref<1x4x128xi32, #tpu.memory_space<hbm>> -> memref<4x128xi32, #tpu.memory_space<hbm>>
        tpu.enqueue_dma source(%dma_start3A_57 : memref<4x128xi32, #tpu.memory_space<hbm>>) target(%arg4 : memref<4x128xi32, #tpu.memory_space<vmem>>) target_semaphore(%run_scoped3A_50 : memref<!tpu.dma_semaphore, #tpu.memory_space<semaphore_mem>>)
        %dma_wait3A = arith.constant 0 : i32
        %dma_wait3A_58 = arith.constant 0 : i32
        %dma_wait3A_59 = tpu.memref_slice %arg2[%add3A_45, %dma_wait3A, %dma_wait3A_58] : memref<640x4x128xi32, #tpu.memory_space<hbm>> -> memref<1x4x128xi32, #tpu.memory_space<hbm>>
        %dma_wait3A_60 = tpu.memref_squeeze %dma_wait3A_59 : memref<1x4x128xi32, #tpu.memory_space<hbm>> -> memref<4x128xi32, #tpu.memory_space<hbm>>
        %dma_wait3A_61 = arith.constant 0 : i32
        %dma_wait3A_62 = arith.constant 0 : i32
        %dma_wait3A_63 = tpu.memref_slice %arg2[%add3A_45, %dma_wait3A_61, %dma_wait3A_62] : memref<640x4x128xi32, #tpu.memory_space<hbm>> -> memref<1x4x128xi32, #tpu.memory_space<hbm>>
        %dma_wait3A_64 = tpu.memref_squeeze %dma_wait3A_63 : memref<1x4x128xi32, #tpu.memory_space<hbm>> -> memref<4x128xi32, #tpu.memory_space<hbm>>
        tpu.wait_dma2 semaphore(%run_scoped3A_50 : memref<!tpu.dma_semaphore, #tpu.memory_space<semaphore_mem>>) src(%dma_wait3A_64 : memref<4x128xi32, #tpu.memory_space<hbm>>) dst(%arg4 : memref<4x128xi32, #tpu.memory_space<vmem>>)
        tpu.yield
      }) : () -> ()
      %run_scoped3A = arith.constant 0 : i32
      "tpu.region"() ({
        %run_scoped3A_50 = tpu.sem_alloc : memref<!tpu.dma_semaphore, #tpu.memory_space<semaphore_mem>>
        %dma_start3A = arith.constant 0 : i32
        %dma_start3A_51 = tpu.memref_slice %arg4[%run_scoped3A, %dma_start3A] : memref<4x128xi32, #tpu.memory_space<vmem>> -> memref<1x128xi32, #tpu.memory_space<vmem>>
        %dma_start3A_52 = tpu.memref_squeeze %dma_start3A_51 : memref<1x128xi32, #tpu.memory_space<vmem>> -> memref<128xi32, #tpu.memory_space<vmem>>
        %dma_start3A_53 = arith.constant 0 : i32
        %dma_start3A_54 = arith.constant 0 : i32
        %dma_start3A_55 = tpu.memref_slice %arg6[%dma_start3A_53, %dma_start3A_54] : memref<10112x128xf32, #tpu.memory_space<vmem_shared>> -> memref<10112x128xf32, #tpu.memory_space<vmem_shared>>
        tpu.enqueue_indirect_dma source(%arg5 : memref<128x128xf32, #tpu.memory_space<vmem>>) target(%dma_start3A_55 : memref<10112x128xf32, #tpu.memory_space<vmem_shared>>) offsets(%dma_start3A_52 : memref<128xi32, #tpu.memory_space<vmem>>) semaphore(%run_scoped3A_50 : memref<!tpu.dma_semaphore, #tpu.memory_space<semaphore_mem>>) {add = true}
        %dma_wait3A = arith.constant 0 : i32
        %dma_wait3A_56 = tpu.memref_slice %arg4[%run_scoped3A, %dma_wait3A] : memref<4x128xi32, #tpu.memory_space<vmem>> -> memref<1x128xi32, #tpu.memory_space<vmem>>
        %dma_wait3A_57 = tpu.memref_squeeze %dma_wait3A_56 : memref<1x128xi32, #tpu.memory_space<vmem>> -> memref<128xi32, #tpu.memory_space<vmem>>
        %dma_wait3A_58 = arith.constant 0 : i32
        %dma_wait3A_59 = arith.constant 0 : i32
        %dma_wait3A_60 = tpu.memref_slice %arg6[%dma_wait3A_58, %dma_wait3A_59] : memref<10112x128xf32, #tpu.memory_space<vmem_shared>> -> memref<10112x128xf32, #tpu.memory_space<vmem_shared>>
        tpu.wait_indirect_dma semaphore(%run_scoped3A_50 : memref<!tpu.dma_semaphore, #tpu.memory_space<semaphore_mem>>) src(%arg5 : memref<128x128xf32, #tpu.memory_space<vmem>>) dst(%dma_wait3A_60 : memref<10112x128xf32, #tpu.memory_space<vmem_shared>>)
        tpu.yield
      }) : () -> ()
      %run_scoped3A_46 = arith.constant 1 : i32
      "tpu.region"() ({
        %run_scoped3A_50 = tpu.sem_alloc : memref<!tpu.dma_semaphore, #tpu.memory_space<semaphore_mem>>
        %dma_start3A = arith.constant 0 : i32
        %dma_start3A_51 = tpu.memref_slice %arg4[%run_scoped3A_46, %dma_start3A] : memref<4x128xi32, #tpu.memory_space<vmem>> -> memref<1x128xi32, #tpu.memory_space<vmem>>
        %dma_start3A_52 = tpu.memref_squeeze %dma_start3A_51 : memref<1x128xi32, #tpu.memory_space<vmem>> -> memref<128xi32, #tpu.memory_space<vmem>>
        %dma_start3A_53 = arith.constant 0 : i32
        %dma_start3A_54 = arith.constant 0 : i32
        %dma_start3A_55 = tpu.memref_slice %arg6[%dma_start3A_53, %dma_start3A_54] : memref<10112x128xf32, #tpu.memory_space<vmem_shared>> -> memref<10112x128xf32, #tpu.memory_space<vmem_shared>>
        tpu.enqueue_indirect_dma source(%arg5 : memref<128x128xf32, #tpu.memory_space<vmem>>) target(%dma_start3A_55 : memref<10112x128xf32, #tpu.memory_space<vmem_shared>>) offsets(%dma_start3A_52 : memref<128xi32, #tpu.memory_space<vmem>>) semaphore(%run_scoped3A_50 : memref<!tpu.dma_semaphore, #tpu.memory_space<semaphore_mem>>) {add = true}
        %dma_wait3A = arith.constant 0 : i32
        %dma_wait3A_56 = tpu.memref_slice %arg4[%run_scoped3A_46, %dma_wait3A] : memref<4x128xi32, #tpu.memory_space<vmem>> -> memref<1x128xi32, #tpu.memory_space<vmem>>
        %dma_wait3A_57 = tpu.memref_squeeze %dma_wait3A_56 : memref<1x128xi32, #tpu.memory_space<vmem>> -> memref<128xi32, #tpu.memory_space<vmem>>
        %dma_wait3A_58 = arith.constant 0 : i32
        %dma_wait3A_59 = arith.constant 0 : i32
        %dma_wait3A_60 = tpu.memref_slice %arg6[%dma_wait3A_58, %dma_wait3A_59] : memref<10112x128xf32, #tpu.memory_space<vmem_shared>> -> memref<10112x128xf32, #tpu.memory_space<vmem_shared>>
        tpu.wait_indirect_dma semaphore(%run_scoped3A_50 : memref<!tpu.dma_semaphore, #tpu.memory_space<semaphore_mem>>) src(%arg5 : memref<128x128xf32, #tpu.memory_space<vmem>>) dst(%dma_wait3A_60 : memref<10112x128xf32, #tpu.memory_space<vmem_shared>>)
        tpu.yield
      }) : () -> ()
      %run_scoped3A_47 = arith.constant 2 : i32
      "tpu.region"() ({
        %run_scoped3A_50 = tpu.sem_alloc : memref<!tpu.dma_semaphore, #tpu.memory_space<semaphore_mem>>
        %dma_start3A = arith.constant 0 : i32
        %dma_start3A_51 = tpu.memref_slice %arg4[%run_scoped3A_47, %dma_start3A] : memref<4x128xi32, #tpu.memory_space<vmem>> -> memref<1x128xi32, #tpu.memory_space<vmem>>
        %dma_start3A_52 = tpu.memref_squeeze %dma_start3A_51 : memref<1x128xi32, #tpu.memory_space<vmem>> -> memref<128xi32, #tpu.memory_space<vmem>>
        %dma_start3A_53 = arith.constant 0 : i32
        %dma_start3A_54 = arith.constant 0 : i32
        %dma_start3A_55 = tpu.memref_slice %arg6[%dma_start3A_53, %dma_start3A_54] : memref<10112x128xf32, #tpu.memory_space<vmem_shared>> -> memref<10112x128xf32, #tpu.memory_space<vmem_shared>>
        tpu.enqueue_indirect_dma source(%arg5 : memref<128x128xf32, #tpu.memory_space<vmem>>) target(%dma_start3A_55 : memref<10112x128xf32, #tpu.memory_space<vmem_shared>>) offsets(%dma_start3A_52 : memref<128xi32, #tpu.memory_space<vmem>>) semaphore(%run_scoped3A_50 : memref<!tpu.dma_semaphore, #tpu.memory_space<semaphore_mem>>) {add = true}
        %dma_wait3A = arith.constant 0 : i32
        %dma_wait3A_56 = tpu.memref_slice %arg4[%run_scoped3A_47, %dma_wait3A] : memref<4x128xi32, #tpu.memory_space<vmem>> -> memref<1x128xi32, #tpu.memory_space<vmem>>
        %dma_wait3A_57 = tpu.memref_squeeze %dma_wait3A_56 : memref<1x128xi32, #tpu.memory_space<vmem>> -> memref<128xi32, #tpu.memory_space<vmem>>
        %dma_wait3A_58 = arith.constant 0 : i32
        %dma_wait3A_59 = arith.constant 0 : i32
        %dma_wait3A_60 = tpu.memref_slice %arg6[%dma_wait3A_58, %dma_wait3A_59] : memref<10112x128xf32, #tpu.memory_space<vmem_shared>> -> memref<10112x128xf32, #tpu.memory_space<vmem_shared>>
        tpu.wait_indirect_dma semaphore(%run_scoped3A_50 : memref<!tpu.dma_semaphore, #tpu.memory_space<semaphore_mem>>) src(%arg5 : memref<128x128xf32, #tpu.memory_space<vmem>>) dst(%dma_wait3A_60 : memref<10112x128xf32, #tpu.memory_space<vmem_shared>>)
        tpu.yield
      }) : () -> ()
      %run_scoped3A_48 = arith.constant 3 : i32
      "tpu.region"() ({
        %run_scoped3A_50 = tpu.sem_alloc : memref<!tpu.dma_semaphore, #tpu.memory_space<semaphore_mem>>
        %dma_start3A = arith.constant 0 : i32
        %dma_start3A_51 = tpu.memref_slice %arg4[%run_scoped3A_48, %dma_start3A] : memref<4x128xi32, #tpu.memory_space<vmem>> -> memref<1x128xi32, #tpu.memory_space<vmem>>
        %dma_start3A_52 = tpu.memref_squeeze %dma_start3A_51 : memref<1x128xi32, #tpu.memory_space<vmem>> -> memref<128xi32, #tpu.memory_space<vmem>>
        %dma_start3A_53 = arith.constant 0 : i32
        %dma_start3A_54 = arith.constant 0 : i32
        %dma_start3A_55 = tpu.memref_slice %arg6[%dma_start3A_53, %dma_start3A_54] : memref<10112x128xf32, #tpu.memory_space<vmem_shared>> -> memref<10112x128xf32, #tpu.memory_space<vmem_shared>>
        tpu.enqueue_indirect_dma source(%arg5 : memref<128x128xf32, #tpu.memory_space<vmem>>) target(%dma_start3A_55 : memref<10112x128xf32, #tpu.memory_space<vmem_shared>>) offsets(%dma_start3A_52 : memref<128xi32, #tpu.memory_space<vmem>>) semaphore(%run_scoped3A_50 : memref<!tpu.dma_semaphore, #tpu.memory_space<semaphore_mem>>) {add = true}
        %dma_wait3A = arith.constant 0 : i32
        %dma_wait3A_56 = tpu.memref_slice %arg4[%run_scoped3A_48, %dma_wait3A] : memref<4x128xi32, #tpu.memory_space<vmem>> -> memref<1x128xi32, #tpu.memory_space<vmem>>
        %dma_wait3A_57 = tpu.memref_squeeze %dma_wait3A_56 : memref<1x128xi32, #tpu.memory_space<vmem>> -> memref<128xi32, #tpu.memory_space<vmem>>
        %dma_wait3A_58 = arith.constant 0 : i32
        %dma_wait3A_59 = arith.constant 0 : i32
        %dma_wait3A_60 = tpu.memref_slice %arg6[%dma_wait3A_58, %dma_wait3A_59] : memref<10112x128xf32, #tpu.memory_space<vmem_shared>> -> memref<10112x128xf32, #tpu.memory_space<vmem_shared>>
        tpu.wait_indirect_dma semaphore(%run_scoped3A_50 : memref<!tpu.dma_semaphore, #tpu.memory_space<semaphore_mem>>) src(%arg5 : memref<128x128xf32, #tpu.memory_space<vmem>>) dst(%dma_wait3A_60 : memref<10112x128xf32, #tpu.memory_space<vmem_shared>>)
        tpu.yield
      }) : () -> ()
      %scan3A_49 = arith.constant 0 : i32
      scf.yield %scan3A_49 : i32
    }
    %scan3A_35 = arith.constant 20 : i32
    %barrier3A_36 = arith.constant 0 : index
    tpu.barrier barrier_id(%barrier3A_36)
    %mul3A_37 = arith.constant 632 : i32
    %mul3A_38 = arith.muli %arg1, %mul3A_37 : i32
    %mul3A_39 = arith.constant 632 : i32
    %mul3A_40 = arith.muli %arg1, %mul3A_39 : i32
    "tpu.region"() ({
      %run_scoped3A = tpu.sem_alloc : memref<!tpu.dma_semaphore, #tpu.memory_space<semaphore_mem>>
      %dma_start3A = arith.constant 0 : i32
      %dma_start3A_41 = tpu.memref_slice %arg3[%arg0, %mul3A_40, %dma_start3A] : memref<2x10112x128xf32, #tpu.memory_space<hbm>> -> memref<1x632x128xf32, #tpu.memory_space<hbm>>
      %dma_start3A_42 = tpu.memref_squeeze %dma_start3A_41 : memref<1x632x128xf32, #tpu.memory_space<hbm>> -> memref<632x128xf32, #tpu.memory_space<hbm>>
      %dma_start3A_43 = arith.constant 0 : i32
      %dma_start3A_44 = tpu.memref_slice %arg6[%mul3A_38, %dma_start3A_43] : memref<10112x128xf32, #tpu.memory_space<vmem_shared>> -> memref<632x128xf32, #tpu.memory_space<vmem_shared>>
      tpu.enqueue_dma source(%dma_start3A_44 : memref<632x128xf32, #tpu.memory_space<vmem_shared>>) target(%dma_start3A_42 : memref<632x128xf32, #tpu.memory_space<hbm>>) target_semaphore(%run_scoped3A : memref<!tpu.dma_semaphore, #tpu.memory_space<semaphore_mem>>)
      %dma_wait3A = arith.constant 0 : i32
      %dma_wait3A_45 = tpu.memref_slice %arg3[%arg0, %mul3A_40, %dma_wait3A] : memref<2x10112x128xf32, #tpu.memory_space<hbm>> -> memref<1x632x128xf32, #tpu.memory_space<hbm>>
      %dma_wait3A_46 = tpu.memref_squeeze %dma_wait3A_45 : memref<1x632x128xf32, #tpu.memory_space<hbm>> -> memref<632x128xf32, #tpu.memory_space<hbm>>
      %dma_wait3A_47 = arith.constant 0 : i32
      %dma_wait3A_48 = tpu.memref_slice %arg6[%mul3A_38, %dma_wait3A_47] : memref<10112x128xf32, #tpu.memory_space<vmem_shared>> -> memref<632x128xf32, #tpu.memory_space<vmem_shared>>
      tpu.wait_dma2 semaphore(%run_scoped3A : memref<!tpu.dma_semaphore, #tpu.memory_space<semaphore_mem>>) src(%dma_wait3A_48 : memref<632x128xf32, #tpu.memory_space<vmem_shared>>) dst(%dma_wait3A_46 : memref<632x128xf32, #tpu.memory_space<hbm>>)
      tpu.yield
    }) : () -> ()
    return
  }
}

module attributes {stable_mosaic.version = 14 : i64} {
  func.func @_dense_body(%arg0: i32, %arg1: memref<1000x12x128xf32, #tpu.memory_space<vmem>>, %arg2: memref<384x256xf32, #tpu.memory_space<vmem>>, %arg3: memref<384x256xf32, #tpu.memory_space<vmem>>, %arg4: memref<384x256xf32, #tpu.memory_space<vmem>>, %arg5: memref<4x256xf32, #tpu.memory_space<vmem>>, %arg6: memref<256x128xf32, #tpu.memory_space<vmem>>, %arg7: memref<2x1000x128xf32, #tpu.memory_space<vmem>>, %arg8: memref<1000x128xf32, #tpu.memory_space<vmem>>) attributes {dimension_semantics = [#tpu.dimension_semantics<arbitrary>], iteration_bounds = array<i64: 10>, scalar_prefetch = 0 : i64, scratch_operands = 0 : i64, tpu.core_type = #tpu.core_type<tc>, window_params = [{transform_indices = @transform_0, window_bounds = array<i64: 1000, 12, 128>}, {pipeline_mode = #tpu.pipeline_mode<synchronous>, transform_indices = @transform_1, window_bounds = array<i64: 384, 256>}, {pipeline_mode = #tpu.pipeline_mode<synchronous>, transform_indices = @transform_2, window_bounds = array<i64: 384, 256>}, {pipeline_mode = #tpu.pipeline_mode<synchronous>, transform_indices = @transform_3, window_bounds = array<i64: 384, 256>}, {pipeline_mode = #tpu.pipeline_mode<synchronous>, transform_indices = @transform_4, window_bounds = array<i64: 4, 256>}, {pipeline_mode = #tpu.pipeline_mode<synchronous>, transform_indices = @transform_5, window_bounds = array<i64: 256, 128>}, {transform_indices = @transform_6, window_bounds = array<i64: 2, 1000, 128>}, {transform_indices = @transform_7, window_bounds = array<i64: 1000, 128>}]} {
    %get3A = arith.constant 0 : index
    %get3A_0 = arith.constant 0 : index
    %get3A_1 = arith.constant 0 : index
    %get3A_2 = vector.load %arg1[%get3A, %get3A_0, %get3A_1] : memref<1000x12x128xf32, #tpu.memory_space<vmem>>, vector<1000x12x128xf32>
    %get3A_3 = arith.constant 0 : index
    %get3A_4 = arith.constant 0 : index
    %get3A_5 = vector.load %arg5[%get3A_3, %get3A_4] : memref<4x256xf32, #tpu.memory_space<vmem>>, vector<1x256xf32>
    %get3A_6 = arith.constant 1 : index
    %get3A_7 = arith.constant 0 : index
    %get3A_8 = vector.load %arg5[%get3A_6, %get3A_7] : memref<4x256xf32, #tpu.memory_space<vmem>>, vector<1x256xf32>
    %get3A_9 = arith.constant 2 : index
    %get3A_10 = arith.constant 0 : index
    %get3A_11 = vector.load %arg5[%get3A_9, %get3A_10] : memref<4x256xf32, #tpu.memory_space<vmem>>, vector<1x256xf32>
    %get3A_12 = arith.constant 0 : index
    %get3A_13 = arith.constant 0 : index
    %get3A_14 = vector.load %arg2[%get3A_12, %get3A_13] : memref<384x256xf32, #tpu.memory_space<vmem>>, vector<384x256xf32>
    %get3A_15 = arith.constant 0 : index
    %get3A_16 = arith.constant 0 : index
    %get3A_17 = vector.load %arg3[%get3A_15, %get3A_16] : memref<384x256xf32, #tpu.memory_space<vmem>>, vector<384x256xf32>
    %get3A_18 = arith.constant 0 : index
    %get3A_19 = arith.constant 0 : index
    %get3A_20 = vector.load %arg4[%get3A_18, %get3A_19] : memref<384x256xf32, #tpu.memory_space<vmem>>, vector<384x256xf32>
    %slice3A = vector.extract_strided_slice %get3A_2 {offsets = [0, 0, 0], sizes = [1000, 1, 128], strides = [1, 1, 1]} : vector<1000x12x128xf32> to vector<1000x1x128xf32>
    %squeeze3A = vector.shape_cast %slice3A : vector<1000x1x128xf32> to vector<1000x128xf32>
    %slice3A_21 = vector.extract_strided_slice %get3A_2 {offsets = [0, 1, 0], sizes = [1000, 1, 128], strides = [1, 1, 1]} : vector<1000x12x128xf32> to vector<1000x1x128xf32>
    %squeeze3A_22 = vector.shape_cast %slice3A_21 : vector<1000x1x128xf32> to vector<1000x128xf32>
    %slice3A_23 = vector.extract_strided_slice %get3A_2 {offsets = [0, 2, 0], sizes = [1000, 1, 128], strides = [1, 1, 1]} : vector<1000x12x128xf32> to vector<1000x1x128xf32>
    %squeeze3A_24 = vector.shape_cast %slice3A_23 : vector<1000x1x128xf32> to vector<1000x128xf32>
    %slice3A_25 = vector.extract_strided_slice %get3A_2 {offsets = [0, 3, 0], sizes = [1000, 1, 128], strides = [1, 1, 1]} : vector<1000x12x128xf32> to vector<1000x1x128xf32>
    %squeeze3A_26 = vector.shape_cast %slice3A_25 : vector<1000x1x128xf32> to vector<1000x128xf32>
    %slice3A_27 = vector.extract_strided_slice %get3A_2 {offsets = [0, 4, 0], sizes = [1000, 1, 128], strides = [1, 1, 1]} : vector<1000x12x128xf32> to vector<1000x1x128xf32>
    %squeeze3A_28 = vector.shape_cast %slice3A_27 : vector<1000x1x128xf32> to vector<1000x128xf32>
    %slice3A_29 = vector.extract_strided_slice %get3A_2 {offsets = [0, 5, 0], sizes = [1000, 1, 128], strides = [1, 1, 1]} : vector<1000x12x128xf32> to vector<1000x1x128xf32>
    %squeeze3A_30 = vector.shape_cast %slice3A_29 : vector<1000x1x128xf32> to vector<1000x128xf32>
    %slice3A_31 = vector.extract_strided_slice %get3A_2 {offsets = [0, 6, 0], sizes = [1000, 1, 128], strides = [1, 1, 1]} : vector<1000x12x128xf32> to vector<1000x1x128xf32>
    %squeeze3A_32 = vector.shape_cast %slice3A_31 : vector<1000x1x128xf32> to vector<1000x128xf32>
    %slice3A_33 = vector.extract_strided_slice %get3A_2 {offsets = [0, 7, 0], sizes = [1000, 1, 128], strides = [1, 1, 1]} : vector<1000x12x128xf32> to vector<1000x1x128xf32>
    %squeeze3A_34 = vector.shape_cast %slice3A_33 : vector<1000x1x128xf32> to vector<1000x128xf32>
    %slice3A_35 = vector.extract_strided_slice %get3A_2 {offsets = [0, 8, 0], sizes = [1000, 1, 128], strides = [1, 1, 1]} : vector<1000x12x128xf32> to vector<1000x1x128xf32>
    %squeeze3A_36 = vector.shape_cast %slice3A_35 : vector<1000x1x128xf32> to vector<1000x128xf32>
    %slice3A_37 = vector.extract_strided_slice %get3A_2 {offsets = [0, 9, 0], sizes = [1000, 1, 128], strides = [1, 1, 1]} : vector<1000x12x128xf32> to vector<1000x1x128xf32>
    %squeeze3A_38 = vector.shape_cast %slice3A_37 : vector<1000x1x128xf32> to vector<1000x128xf32>
    %slice3A_39 = vector.extract_strided_slice %get3A_2 {offsets = [0, 10, 0], sizes = [1000, 1, 128], strides = [1, 1, 1]} : vector<1000x12x128xf32> to vector<1000x1x128xf32>
    %squeeze3A_40 = vector.shape_cast %slice3A_39 : vector<1000x1x128xf32> to vector<1000x128xf32>
    %slice3A_41 = vector.extract_strided_slice %get3A_2 {offsets = [0, 11, 0], sizes = [1000, 1, 128], strides = [1, 1, 1]} : vector<1000x12x128xf32> to vector<1000x1x128xf32>
    %squeeze3A_42 = vector.shape_cast %slice3A_41 : vector<1000x1x128xf32> to vector<1000x128xf32>
    %broadcast_in_dim3A = arith.constant 0.000000e+00 : f32
    %broadcast_in_dim3A_43 = vector.broadcast %broadcast_in_dim3A : f32 to vector<1000x256xf32>
    %concatenate3A = tpu.concatenate %squeeze3A, %squeeze3A_22, %squeeze3A_24 in 1 : vector<1000x128xf32>, vector<1000x128xf32>, vector<1000x128xf32> -> vector<1000x384xf32>
    %dot_general3A = arith.constant dense<0.000000e+00> : vector<1000x256xf32>
    %dot_general3A_44 = tpu.matmul %concatenate3A, %get3A_14, %dot_general3A {dimension_numbers = #tpu.dot_dimension_numbers<[1], [0], [0], [1], [0, 0, 1, 1], [], []>, transpose_lhs_hint = false} : vector<1000x384xf32>, vector<384x256xf32>, vector<1000x256xf32> -> vector<1000x256xf32>
    %add3A = vector.broadcast %get3A_5 : vector<1x256xf32> to vector<1000x256xf32>
    %add3A_45 = arith.addf %dot_general3A_44, %add3A : vector<1000x256xf32>
    %dot_general3A_46 = arith.constant dense<0.000000e+00> : vector<1000x256xf32>
    %dot_general3A_47 = tpu.matmul %concatenate3A, %get3A_17, %dot_general3A_46 {dimension_numbers = #tpu.dot_dimension_numbers<[1], [0], [0], [1], [0, 0, 1, 1], [], []>, transpose_lhs_hint = false} : vector<1000x384xf32>, vector<384x256xf32>, vector<1000x256xf32> -> vector<1000x256xf32>
    %add3A_48 = vector.broadcast %get3A_8 : vector<1x256xf32> to vector<1000x256xf32>
    %add3A_49 = arith.addf %dot_general3A_47, %add3A_48 : vector<1000x256xf32>
    %dot_general3A_50 = arith.constant dense<0.000000e+00> : vector<1000x256xf32>
    %dot_general3A_51 = tpu.matmul %concatenate3A, %get3A_20, %dot_general3A_50 {dimension_numbers = #tpu.dot_dimension_numbers<[1], [0], [0], [1], [0, 0, 1, 1], [], []>, transpose_lhs_hint = false} : vector<1000x384xf32>, vector<384x256xf32>, vector<1000x256xf32> -> vector<1000x256xf32>
    %add3A_52 = vector.broadcast %get3A_11 : vector<1x256xf32> to vector<1000x256xf32>
    %add3A_53 = arith.addf %dot_general3A_51, %add3A_52 : vector<1000x256xf32>
    %logistic3A = arith.negf %add3A_49 : vector<1000x256xf32>
    %logistic3A_54 = math.exp %logistic3A : vector<1000x256xf32>
    %logistic3A_55 = arith.constant 1.000000e+00 : f32
    %logistic3A_56 = vector.broadcast %logistic3A_55 : f32 to vector<1000x256xf32>
    %logistic3A_57 = arith.addf %logistic3A_56, %logistic3A_54 : vector<1000x256xf32>
    %logistic3A_58 = arith.divf %logistic3A_56, %logistic3A_57 : vector<1000x256xf32>
    %mul3A = arith.mulf %add3A_45, %logistic3A_58 : vector<1000x256xf32>
    %add3A_59 = arith.addf %mul3A, %add3A_53 : vector<1000x256xf32>
    %max3A = arith.constant 0.000000e+00 : f32
    %max3A_60 = vector.broadcast %max3A : f32 to vector<1000x256xf32>
    %max3A_61 = arith.maximumf %add3A_59, %max3A_60 : vector<1000x256xf32>
    %add3A_62 = arith.addf %broadcast_in_dim3A_43, %max3A_61 : vector<1000x256xf32>
    %concatenate3A_63 = tpu.concatenate %squeeze3A_22, %squeeze3A_24, %squeeze3A_26 in 1 : vector<1000x128xf32>, vector<1000x128xf32>, vector<1000x128xf32> -> vector<1000x384xf32>
    %dot_general3A_64 = arith.constant dense<0.000000e+00> : vector<1000x256xf32>
    %dot_general3A_65 = tpu.matmul %concatenate3A_63, %get3A_14, %dot_general3A_64 {dimension_numbers = #tpu.dot_dimension_numbers<[1], [0], [0], [1], [0, 0, 1, 1], [], []>, transpose_lhs_hint = false} : vector<1000x384xf32>, vector<384x256xf32>, vector<1000x256xf32> -> vector<1000x256xf32>
    %add3A_66 = vector.broadcast %get3A_5 : vector<1x256xf32> to vector<1000x256xf32>
    %add3A_67 = arith.addf %dot_general3A_65, %add3A_66 : vector<1000x256xf32>
    %dot_general3A_68 = arith.constant dense<0.000000e+00> : vector<1000x256xf32>
    %dot_general3A_69 = tpu.matmul %concatenate3A_63, %get3A_17, %dot_general3A_68 {dimension_numbers = #tpu.dot_dimension_numbers<[1], [0], [0], [1], [0, 0, 1, 1], [], []>, transpose_lhs_hint = false} : vector<1000x384xf32>, vector<384x256xf32>, vector<1000x256xf32> -> vector<1000x256xf32>
    %add3A_70 = vector.broadcast %get3A_8 : vector<1x256xf32> to vector<1000x256xf32>
    %add3A_71 = arith.addf %dot_general3A_69, %add3A_70 : vector<1000x256xf32>
    %dot_general3A_72 = arith.constant dense<0.000000e+00> : vector<1000x256xf32>
    %dot_general3A_73 = tpu.matmul %concatenate3A_63, %get3A_20, %dot_general3A_72 {dimension_numbers = #tpu.dot_dimension_numbers<[1], [0], [0], [1], [0, 0, 1, 1], [], []>, transpose_lhs_hint = false} : vector<1000x384xf32>, vector<384x256xf32>, vector<1000x256xf32> -> vector<1000x256xf32>
    %add3A_74 = vector.broadcast %get3A_11 : vector<1x256xf32> to vector<1000x256xf32>
    %add3A_75 = arith.addf %dot_general3A_73, %add3A_74 : vector<1000x256xf32>
    %logistic3A_76 = arith.negf %add3A_71 : vector<1000x256xf32>
    %logistic3A_77 = math.exp %logistic3A_76 : vector<1000x256xf32>
    %logistic3A_78 = arith.constant 1.000000e+00 : f32
    %logistic3A_79 = vector.broadcast %logistic3A_78 : f32 to vector<1000x256xf32>
    %logistic3A_80 = arith.addf %logistic3A_79, %logistic3A_77 : vector<1000x256xf32>
    %logistic3A_81 = arith.divf %logistic3A_79, %logistic3A_80 : vector<1000x256xf32>
    %mul3A_82 = arith.mulf %add3A_67, %logistic3A_81 : vector<1000x256xf32>
    %add3A_83 = arith.addf %mul3A_82, %add3A_75 : vector<1000x256xf32>
    %max3A_84 = arith.constant 0.000000e+00 : f32
    %max3A_85 = vector.broadcast %max3A_84 : f32 to vector<1000x256xf32>
    %max3A_86 = arith.maximumf %add3A_83, %max3A_85 : vector<1000x256xf32>
    %add3A_87 = arith.addf %add3A_62, %max3A_86 : vector<1000x256xf32>
    %concatenate3A_88 = tpu.concatenate %squeeze3A_24, %squeeze3A_26, %squeeze3A_28 in 1 : vector<1000x128xf32>, vector<1000x128xf32>, vector<1000x128xf32> -> vector<1000x384xf32>
    %dot_general3A_89 = arith.constant dense<0.000000e+00> : vector<1000x256xf32>
    %dot_general3A_90 = tpu.matmul %concatenate3A_88, %get3A_14, %dot_general3A_89 {dimension_numbers = #tpu.dot_dimension_numbers<[1], [0], [0], [1], [0, 0, 1, 1], [], []>, transpose_lhs_hint = false} : vector<1000x384xf32>, vector<384x256xf32>, vector<1000x256xf32> -> vector<1000x256xf32>
    %add3A_91 = vector.broadcast %get3A_5 : vector<1x256xf32> to vector<1000x256xf32>
    %add3A_92 = arith.addf %dot_general3A_90, %add3A_91 : vector<1000x256xf32>
    %dot_general3A_93 = arith.constant dense<0.000000e+00> : vector<1000x256xf32>
    %dot_general3A_94 = tpu.matmul %concatenate3A_88, %get3A_17, %dot_general3A_93 {dimension_numbers = #tpu.dot_dimension_numbers<[1], [0], [0], [1], [0, 0, 1, 1], [], []>, transpose_lhs_hint = false} : vector<1000x384xf32>, vector<384x256xf32>, vector<1000x256xf32> -> vector<1000x256xf32>
    %add3A_95 = vector.broadcast %get3A_8 : vector<1x256xf32> to vector<1000x256xf32>
    %add3A_96 = arith.addf %dot_general3A_94, %add3A_95 : vector<1000x256xf32>
    %dot_general3A_97 = arith.constant dense<0.000000e+00> : vector<1000x256xf32>
    %dot_general3A_98 = tpu.matmul %concatenate3A_88, %get3A_20, %dot_general3A_97 {dimension_numbers = #tpu.dot_dimension_numbers<[1], [0], [0], [1], [0, 0, 1, 1], [], []>, transpose_lhs_hint = false} : vector<1000x384xf32>, vector<384x256xf32>, vector<1000x256xf32> -> vector<1000x256xf32>
    %add3A_99 = vector.broadcast %get3A_11 : vector<1x256xf32> to vector<1000x256xf32>
    %add3A_100 = arith.addf %dot_general3A_98, %add3A_99 : vector<1000x256xf32>
    %logistic3A_101 = arith.negf %add3A_96 : vector<1000x256xf32>
    %logistic3A_102 = math.exp %logistic3A_101 : vector<1000x256xf32>
    %logistic3A_103 = arith.constant 1.000000e+00 : f32
    %logistic3A_104 = vector.broadcast %logistic3A_103 : f32 to vector<1000x256xf32>
    %logistic3A_105 = arith.addf %logistic3A_104, %logistic3A_102 : vector<1000x256xf32>
    %logistic3A_106 = arith.divf %logistic3A_104, %logistic3A_105 : vector<1000x256xf32>
    %mul3A_107 = arith.mulf %add3A_92, %logistic3A_106 : vector<1000x256xf32>
    %add3A_108 = arith.addf %mul3A_107, %add3A_100 : vector<1000x256xf32>
    %max3A_109 = arith.constant 0.000000e+00 : f32
    %max3A_110 = vector.broadcast %max3A_109 : f32 to vector<1000x256xf32>
    %max3A_111 = arith.maximumf %add3A_108, %max3A_110 : vector<1000x256xf32>
    %add3A_112 = arith.addf %add3A_87, %max3A_111 : vector<1000x256xf32>
    %concatenate3A_113 = tpu.concatenate %squeeze3A_26, %squeeze3A_28, %squeeze3A_30 in 1 : vector<1000x128xf32>, vector<1000x128xf32>, vector<1000x128xf32> -> vector<1000x384xf32>
    %dot_general3A_114 = arith.constant dense<0.000000e+00> : vector<1000x256xf32>
    %dot_general3A_115 = tpu.matmul %concatenate3A_113, %get3A_14, %dot_general3A_114 {dimension_numbers = #tpu.dot_dimension_numbers<[1], [0], [0], [1], [0, 0, 1, 1], [], []>, transpose_lhs_hint = false} : vector<1000x384xf32>, vector<384x256xf32>, vector<1000x256xf32> -> vector<1000x256xf32>
    %add3A_116 = vector.broadcast %get3A_5 : vector<1x256xf32> to vector<1000x256xf32>
    %add3A_117 = arith.addf %dot_general3A_115, %add3A_116 : vector<1000x256xf32>
    %dot_general3A_118 = arith.constant dense<0.000000e+00> : vector<1000x256xf32>
    %dot_general3A_119 = tpu.matmul %concatenate3A_113, %get3A_17, %dot_general3A_118 {dimension_numbers = #tpu.dot_dimension_numbers<[1], [0], [0], [1], [0, 0, 1, 1], [], []>, transpose_lhs_hint = false} : vector<1000x384xf32>, vector<384x256xf32>, vector<1000x256xf32> -> vector<1000x256xf32>
    %add3A_120 = vector.broadcast %get3A_8 : vector<1x256xf32> to vector<1000x256xf32>
    %add3A_121 = arith.addf %dot_general3A_119, %add3A_120 : vector<1000x256xf32>
    %dot_general3A_122 = arith.constant dense<0.000000e+00> : vector<1000x256xf32>
    %dot_general3A_123 = tpu.matmul %concatenate3A_113, %get3A_20, %dot_general3A_122 {dimension_numbers = #tpu.dot_dimension_numbers<[1], [0], [0], [1], [0, 0, 1, 1], [], []>, transpose_lhs_hint = false} : vector<1000x384xf32>, vector<384x256xf32>, vector<1000x256xf32> -> vector<1000x256xf32>
    %add3A_124 = vector.broadcast %get3A_11 : vector<1x256xf32> to vector<1000x256xf32>
    %add3A_125 = arith.addf %dot_general3A_123, %add3A_124 : vector<1000x256xf32>
    %logistic3A_126 = arith.negf %add3A_121 : vector<1000x256xf32>
    %logistic3A_127 = math.exp %logistic3A_126 : vector<1000x256xf32>
    %logistic3A_128 = arith.constant 1.000000e+00 : f32
    %logistic3A_129 = vector.broadcast %logistic3A_128 : f32 to vector<1000x256xf32>
    %logistic3A_130 = arith.addf %logistic3A_129, %logistic3A_127 : vector<1000x256xf32>
    %logistic3A_131 = arith.divf %logistic3A_129, %logistic3A_130 : vector<1000x256xf32>
    %mul3A_132 = arith.mulf %add3A_117, %logistic3A_131 : vector<1000x256xf32>
    %add3A_133 = arith.addf %mul3A_132, %add3A_125 : vector<1000x256xf32>
    %max3A_134 = arith.constant 0.000000e+00 : f32
    %max3A_135 = vector.broadcast %max3A_134 : f32 to vector<1000x256xf32>
    %max3A_136 = arith.maximumf %add3A_133, %max3A_135 : vector<1000x256xf32>
    %add3A_137 = arith.addf %add3A_112, %max3A_136 : vector<1000x256xf32>
    %concatenate3A_138 = tpu.concatenate %squeeze3A_28, %squeeze3A_30, %squeeze3A_32 in 1 : vector<1000x128xf32>, vector<1000x128xf32>, vector<1000x128xf32> -> vector<1000x384xf32>
    %dot_general3A_139 = arith.constant dense<0.000000e+00> : vector<1000x256xf32>
    %dot_general3A_140 = tpu.matmul %concatenate3A_138, %get3A_14, %dot_general3A_139 {dimension_numbers = #tpu.dot_dimension_numbers<[1], [0], [0], [1], [0, 0, 1, 1], [], []>, transpose_lhs_hint = false} : vector<1000x384xf32>, vector<384x256xf32>, vector<1000x256xf32> -> vector<1000x256xf32>
    %add3A_141 = vector.broadcast %get3A_5 : vector<1x256xf32> to vector<1000x256xf32>
    %add3A_142 = arith.addf %dot_general3A_140, %add3A_141 : vector<1000x256xf32>
    %dot_general3A_143 = arith.constant dense<0.000000e+00> : vector<1000x256xf32>
    %dot_general3A_144 = tpu.matmul %concatenate3A_138, %get3A_17, %dot_general3A_143 {dimension_numbers = #tpu.dot_dimension_numbers<[1], [0], [0], [1], [0, 0, 1, 1], [], []>, transpose_lhs_hint = false} : vector<1000x384xf32>, vector<384x256xf32>, vector<1000x256xf32> -> vector<1000x256xf32>
    %add3A_145 = vector.broadcast %get3A_8 : vector<1x256xf32> to vector<1000x256xf32>
    %add3A_146 = arith.addf %dot_general3A_144, %add3A_145 : vector<1000x256xf32>
    %dot_general3A_147 = arith.constant dense<0.000000e+00> : vector<1000x256xf32>
    %dot_general3A_148 = tpu.matmul %concatenate3A_138, %get3A_20, %dot_general3A_147 {dimension_numbers = #tpu.dot_dimension_numbers<[1], [0], [0], [1], [0, 0, 1, 1], [], []>, transpose_lhs_hint = false} : vector<1000x384xf32>, vector<384x256xf32>, vector<1000x256xf32> -> vector<1000x256xf32>
    %add3A_149 = vector.broadcast %get3A_11 : vector<1x256xf32> to vector<1000x256xf32>
    %add3A_150 = arith.addf %dot_general3A_148, %add3A_149 : vector<1000x256xf32>
    %logistic3A_151 = arith.negf %add3A_146 : vector<1000x256xf32>
    %logistic3A_152 = math.exp %logistic3A_151 : vector<1000x256xf32>
    %logistic3A_153 = arith.constant 1.000000e+00 : f32
    %logistic3A_154 = vector.broadcast %logistic3A_153 : f32 to vector<1000x256xf32>
    %logistic3A_155 = arith.addf %logistic3A_154, %logistic3A_152 : vector<1000x256xf32>
    %logistic3A_156 = arith.divf %logistic3A_154, %logistic3A_155 : vector<1000x256xf32>
    %mul3A_157 = arith.mulf %add3A_142, %logistic3A_156 : vector<1000x256xf32>
    %add3A_158 = arith.addf %mul3A_157, %add3A_150 : vector<1000x256xf32>
    %max3A_159 = arith.constant 0.000000e+00 : f32
    %max3A_160 = vector.broadcast %max3A_159 : f32 to vector<1000x256xf32>
    %max3A_161 = arith.maximumf %add3A_158, %max3A_160 : vector<1000x256xf32>
    %add3A_162 = arith.addf %add3A_137, %max3A_161 : vector<1000x256xf32>
    %concatenate3A_163 = tpu.concatenate %squeeze3A_30, %squeeze3A_32, %squeeze3A_34 in 1 : vector<1000x128xf32>, vector<1000x128xf32>, vector<1000x128xf32> -> vector<1000x384xf32>
    %dot_general3A_164 = arith.constant dense<0.000000e+00> : vector<1000x256xf32>
    %dot_general3A_165 = tpu.matmul %concatenate3A_163, %get3A_14, %dot_general3A_164 {dimension_numbers = #tpu.dot_dimension_numbers<[1], [0], [0], [1], [0, 0, 1, 1], [], []>, transpose_lhs_hint = false} : vector<1000x384xf32>, vector<384x256xf32>, vector<1000x256xf32> -> vector<1000x256xf32>
    %add3A_166 = vector.broadcast %get3A_5 : vector<1x256xf32> to vector<1000x256xf32>
    %add3A_167 = arith.addf %dot_general3A_165, %add3A_166 : vector<1000x256xf32>
    %dot_general3A_168 = arith.constant dense<0.000000e+00> : vector<1000x256xf32>
    %dot_general3A_169 = tpu.matmul %concatenate3A_163, %get3A_17, %dot_general3A_168 {dimension_numbers = #tpu.dot_dimension_numbers<[1], [0], [0], [1], [0, 0, 1, 1], [], []>, transpose_lhs_hint = false} : vector<1000x384xf32>, vector<384x256xf32>, vector<1000x256xf32> -> vector<1000x256xf32>
    %add3A_170 = vector.broadcast %get3A_8 : vector<1x256xf32> to vector<1000x256xf32>
    %add3A_171 = arith.addf %dot_general3A_169, %add3A_170 : vector<1000x256xf32>
    %dot_general3A_172 = arith.constant dense<0.000000e+00> : vector<1000x256xf32>
    %dot_general3A_173 = tpu.matmul %concatenate3A_163, %get3A_20, %dot_general3A_172 {dimension_numbers = #tpu.dot_dimension_numbers<[1], [0], [0], [1], [0, 0, 1, 1], [], []>, transpose_lhs_hint = false} : vector<1000x384xf32>, vector<384x256xf32>, vector<1000x256xf32> -> vector<1000x256xf32>
    %add3A_174 = vector.broadcast %get3A_11 : vector<1x256xf32> to vector<1000x256xf32>
    %add3A_175 = arith.addf %dot_general3A_173, %add3A_174 : vector<1000x256xf32>
    %logistic3A_176 = arith.negf %add3A_171 : vector<1000x256xf32>
    %logistic3A_177 = math.exp %logistic3A_176 : vector<1000x256xf32>
    %logistic3A_178 = arith.constant 1.000000e+00 : f32
    %logistic3A_179 = vector.broadcast %logistic3A_178 : f32 to vector<1000x256xf32>
    %logistic3A_180 = arith.addf %logistic3A_179, %logistic3A_177 : vector<1000x256xf32>
    %logistic3A_181 = arith.divf %logistic3A_179, %logistic3A_180 : vector<1000x256xf32>
    %mul3A_182 = arith.mulf %add3A_167, %logistic3A_181 : vector<1000x256xf32>
    %add3A_183 = arith.addf %mul3A_182, %add3A_175 : vector<1000x256xf32>
    %max3A_184 = arith.constant 0.000000e+00 : f32
    %max3A_185 = vector.broadcast %max3A_184 : f32 to vector<1000x256xf32>
    %max3A_186 = arith.maximumf %add3A_183, %max3A_185 : vector<1000x256xf32>
    %add3A_187 = arith.addf %add3A_162, %max3A_186 : vector<1000x256xf32>
    %concatenate3A_188 = tpu.concatenate %squeeze3A_32, %squeeze3A_34, %squeeze3A_36 in 1 : vector<1000x128xf32>, vector<1000x128xf32>, vector<1000x128xf32> -> vector<1000x384xf32>
    %dot_general3A_189 = arith.constant dense<0.000000e+00> : vector<1000x256xf32>
    %dot_general3A_190 = tpu.matmul %concatenate3A_188, %get3A_14, %dot_general3A_189 {dimension_numbers = #tpu.dot_dimension_numbers<[1], [0], [0], [1], [0, 0, 1, 1], [], []>, transpose_lhs_hint = false} : vector<1000x384xf32>, vector<384x256xf32>, vector<1000x256xf32> -> vector<1000x256xf32>
    %add3A_191 = vector.broadcast %get3A_5 : vector<1x256xf32> to vector<1000x256xf32>
    %add3A_192 = arith.addf %dot_general3A_190, %add3A_191 : vector<1000x256xf32>
    %dot_general3A_193 = arith.constant dense<0.000000e+00> : vector<1000x256xf32>
    %dot_general3A_194 = tpu.matmul %concatenate3A_188, %get3A_17, %dot_general3A_193 {dimension_numbers = #tpu.dot_dimension_numbers<[1], [0], [0], [1], [0, 0, 1, 1], [], []>, transpose_lhs_hint = false} : vector<1000x384xf32>, vector<384x256xf32>, vector<1000x256xf32> -> vector<1000x256xf32>
    %add3A_195 = vector.broadcast %get3A_8 : vector<1x256xf32> to vector<1000x256xf32>
    %add3A_196 = arith.addf %dot_general3A_194, %add3A_195 : vector<1000x256xf32>
    %dot_general3A_197 = arith.constant dense<0.000000e+00> : vector<1000x256xf32>
    %dot_general3A_198 = tpu.matmul %concatenate3A_188, %get3A_20, %dot_general3A_197 {dimension_numbers = #tpu.dot_dimension_numbers<[1], [0], [0], [1], [0, 0, 1, 1], [], []>, transpose_lhs_hint = false} : vector<1000x384xf32>, vector<384x256xf32>, vector<1000x256xf32> -> vector<1000x256xf32>
    %add3A_199 = vector.broadcast %get3A_11 : vector<1x256xf32> to vector<1000x256xf32>
    %add3A_200 = arith.addf %dot_general3A_198, %add3A_199 : vector<1000x256xf32>
    %logistic3A_201 = arith.negf %add3A_196 : vector<1000x256xf32>
    %logistic3A_202 = math.exp %logistic3A_201 : vector<1000x256xf32>
    %logistic3A_203 = arith.constant 1.000000e+00 : f32
    %logistic3A_204 = vector.broadcast %logistic3A_203 : f32 to vector<1000x256xf32>
    %logistic3A_205 = arith.addf %logistic3A_204, %logistic3A_202 : vector<1000x256xf32>
    %logistic3A_206 = arith.divf %logistic3A_204, %logistic3A_205 : vector<1000x256xf32>
    %mul3A_207 = arith.mulf %add3A_192, %logistic3A_206 : vector<1000x256xf32>
    %add3A_208 = arith.addf %mul3A_207, %add3A_200 : vector<1000x256xf32>
    %max3A_209 = arith.constant 0.000000e+00 : f32
    %max3A_210 = vector.broadcast %max3A_209 : f32 to vector<1000x256xf32>
    %max3A_211 = arith.maximumf %add3A_208, %max3A_210 : vector<1000x256xf32>
    %add3A_212 = arith.addf %add3A_187, %max3A_211 : vector<1000x256xf32>
    %concatenate3A_213 = tpu.concatenate %squeeze3A_34, %squeeze3A_36, %squeeze3A_38 in 1 : vector<1000x128xf32>, vector<1000x128xf32>, vector<1000x128xf32> -> vector<1000x384xf32>
    %dot_general3A_214 = arith.constant dense<0.000000e+00> : vector<1000x256xf32>
    %dot_general3A_215 = tpu.matmul %concatenate3A_213, %get3A_14, %dot_general3A_214 {dimension_numbers = #tpu.dot_dimension_numbers<[1], [0], [0], [1], [0, 0, 1, 1], [], []>, transpose_lhs_hint = false} : vector<1000x384xf32>, vector<384x256xf32>, vector<1000x256xf32> -> vector<1000x256xf32>
    %add3A_216 = vector.broadcast %get3A_5 : vector<1x256xf32> to vector<1000x256xf32>
    %add3A_217 = arith.addf %dot_general3A_215, %add3A_216 : vector<1000x256xf32>
    %dot_general3A_218 = arith.constant dense<0.000000e+00> : vector<1000x256xf32>
    %dot_general3A_219 = tpu.matmul %concatenate3A_213, %get3A_17, %dot_general3A_218 {dimension_numbers = #tpu.dot_dimension_numbers<[1], [0], [0], [1], [0, 0, 1, 1], [], []>, transpose_lhs_hint = false} : vector<1000x384xf32>, vector<384x256xf32>, vector<1000x256xf32> -> vector<1000x256xf32>
    %add3A_220 = vector.broadcast %get3A_8 : vector<1x256xf32> to vector<1000x256xf32>
    %add3A_221 = arith.addf %dot_general3A_219, %add3A_220 : vector<1000x256xf32>
    %dot_general3A_222 = arith.constant dense<0.000000e+00> : vector<1000x256xf32>
    %dot_general3A_223 = tpu.matmul %concatenate3A_213, %get3A_20, %dot_general3A_222 {dimension_numbers = #tpu.dot_dimension_numbers<[1], [0], [0], [1], [0, 0, 1, 1], [], []>, transpose_lhs_hint = false} : vector<1000x384xf32>, vector<384x256xf32>, vector<1000x256xf32> -> vector<1000x256xf32>
    %add3A_224 = vector.broadcast %get3A_11 : vector<1x256xf32> to vector<1000x256xf32>
    %add3A_225 = arith.addf %dot_general3A_223, %add3A_224 : vector<1000x256xf32>
    %logistic3A_226 = arith.negf %add3A_221 : vector<1000x256xf32>
    %logistic3A_227 = math.exp %logistic3A_226 : vector<1000x256xf32>
    %logistic3A_228 = arith.constant 1.000000e+00 : f32
    %logistic3A_229 = vector.broadcast %logistic3A_228 : f32 to vector<1000x256xf32>
    %logistic3A_230 = arith.addf %logistic3A_229, %logistic3A_227 : vector<1000x256xf32>
    %logistic3A_231 = arith.divf %logistic3A_229, %logistic3A_230 : vector<1000x256xf32>
    %mul3A_232 = arith.mulf %add3A_217, %logistic3A_231 : vector<1000x256xf32>
    %add3A_233 = arith.addf %mul3A_232, %add3A_225 : vector<1000x256xf32>
    %max3A_234 = arith.constant 0.000000e+00 : f32
    %max3A_235 = vector.broadcast %max3A_234 : f32 to vector<1000x256xf32>
    %max3A_236 = arith.maximumf %add3A_233, %max3A_235 : vector<1000x256xf32>
    %add3A_237 = arith.addf %add3A_212, %max3A_236 : vector<1000x256xf32>
    %concatenate3A_238 = tpu.concatenate %squeeze3A_36, %squeeze3A_38, %squeeze3A_40 in 1 : vector<1000x128xf32>, vector<1000x128xf32>, vector<1000x128xf32> -> vector<1000x384xf32>
    %dot_general3A_239 = arith.constant dense<0.000000e+00> : vector<1000x256xf32>
    %dot_general3A_240 = tpu.matmul %concatenate3A_238, %get3A_14, %dot_general3A_239 {dimension_numbers = #tpu.dot_dimension_numbers<[1], [0], [0], [1], [0, 0, 1, 1], [], []>, transpose_lhs_hint = false} : vector<1000x384xf32>, vector<384x256xf32>, vector<1000x256xf32> -> vector<1000x256xf32>
    %add3A_241 = vector.broadcast %get3A_5 : vector<1x256xf32> to vector<1000x256xf32>
    %add3A_242 = arith.addf %dot_general3A_240, %add3A_241 : vector<1000x256xf32>
    %dot_general3A_243 = arith.constant dense<0.000000e+00> : vector<1000x256xf32>
    %dot_general3A_244 = tpu.matmul %concatenate3A_238, %get3A_17, %dot_general3A_243 {dimension_numbers = #tpu.dot_dimension_numbers<[1], [0], [0], [1], [0, 0, 1, 1], [], []>, transpose_lhs_hint = false} : vector<1000x384xf32>, vector<384x256xf32>, vector<1000x256xf32> -> vector<1000x256xf32>
    %add3A_245 = vector.broadcast %get3A_8 : vector<1x256xf32> to vector<1000x256xf32>
    %add3A_246 = arith.addf %dot_general3A_244, %add3A_245 : vector<1000x256xf32>
    %dot_general3A_247 = arith.constant dense<0.000000e+00> : vector<1000x256xf32>
    %dot_general3A_248 = tpu.matmul %concatenate3A_238, %get3A_20, %dot_general3A_247 {dimension_numbers = #tpu.dot_dimension_numbers<[1], [0], [0], [1], [0, 0, 1, 1], [], []>, transpose_lhs_hint = false} : vector<1000x384xf32>, vector<384x256xf32>, vector<1000x256xf32> -> vector<1000x256xf32>
    %add3A_249 = vector.broadcast %get3A_11 : vector<1x256xf32> to vector<1000x256xf32>
    %add3A_250 = arith.addf %dot_general3A_248, %add3A_249 : vector<1000x256xf32>
    %logistic3A_251 = arith.negf %add3A_246 : vector<1000x256xf32>
    %logistic3A_252 = math.exp %logistic3A_251 : vector<1000x256xf32>
    %logistic3A_253 = arith.constant 1.000000e+00 : f32
    %logistic3A_254 = vector.broadcast %logistic3A_253 : f32 to vector<1000x256xf32>
    %logistic3A_255 = arith.addf %logistic3A_254, %logistic3A_252 : vector<1000x256xf32>
    %logistic3A_256 = arith.divf %logistic3A_254, %logistic3A_255 : vector<1000x256xf32>
    %mul3A_257 = arith.mulf %add3A_242, %logistic3A_256 : vector<1000x256xf32>
    %add3A_258 = arith.addf %mul3A_257, %add3A_250 : vector<1000x256xf32>
    %max3A_259 = arith.constant 0.000000e+00 : f32
    %max3A_260 = vector.broadcast %max3A_259 : f32 to vector<1000x256xf32>
    %max3A_261 = arith.maximumf %add3A_258, %max3A_260 : vector<1000x256xf32>
    %add3A_262 = arith.addf %add3A_237, %max3A_261 : vector<1000x256xf32>
    %concatenate3A_263 = tpu.concatenate %squeeze3A_38, %squeeze3A_40, %squeeze3A_42 in 1 : vector<1000x128xf32>, vector<1000x128xf32>, vector<1000x128xf32> -> vector<1000x384xf32>
    %dot_general3A_264 = arith.constant dense<0.000000e+00> : vector<1000x256xf32>
    %dot_general3A_265 = tpu.matmul %concatenate3A_263, %get3A_14, %dot_general3A_264 {dimension_numbers = #tpu.dot_dimension_numbers<[1], [0], [0], [1], [0, 0, 1, 1], [], []>, transpose_lhs_hint = false} : vector<1000x384xf32>, vector<384x256xf32>, vector<1000x256xf32> -> vector<1000x256xf32>
    %add3A_266 = vector.broadcast %get3A_5 : vector<1x256xf32> to vector<1000x256xf32>
    %add3A_267 = arith.addf %dot_general3A_265, %add3A_266 : vector<1000x256xf32>
    %dot_general3A_268 = arith.constant dense<0.000000e+00> : vector<1000x256xf32>
    %dot_general3A_269 = tpu.matmul %concatenate3A_263, %get3A_17, %dot_general3A_268 {dimension_numbers = #tpu.dot_dimension_numbers<[1], [0], [0], [1], [0, 0, 1, 1], [], []>, transpose_lhs_hint = false} : vector<1000x384xf32>, vector<384x256xf32>, vector<1000x256xf32> -> vector<1000x256xf32>
    %add3A_270 = vector.broadcast %get3A_8 : vector<1x256xf32> to vector<1000x256xf32>
    %add3A_271 = arith.addf %dot_general3A_269, %add3A_270 : vector<1000x256xf32>
    %dot_general3A_272 = arith.constant dense<0.000000e+00> : vector<1000x256xf32>
    %dot_general3A_273 = tpu.matmul %concatenate3A_263, %get3A_20, %dot_general3A_272 {dimension_numbers = #tpu.dot_dimension_numbers<[1], [0], [0], [1], [0, 0, 1, 1], [], []>, transpose_lhs_hint = false} : vector<1000x384xf32>, vector<384x256xf32>, vector<1000x256xf32> -> vector<1000x256xf32>
    %add3A_274 = vector.broadcast %get3A_11 : vector<1x256xf32> to vector<1000x256xf32>
    %add3A_275 = arith.addf %dot_general3A_273, %add3A_274 : vector<1000x256xf32>
    %logistic3A_276 = arith.negf %add3A_271 : vector<1000x256xf32>
    %logistic3A_277 = math.exp %logistic3A_276 : vector<1000x256xf32>
    %logistic3A_278 = arith.constant 1.000000e+00 : f32
    %logistic3A_279 = vector.broadcast %logistic3A_278 : f32 to vector<1000x256xf32>
    %logistic3A_280 = arith.addf %logistic3A_279, %logistic3A_277 : vector<1000x256xf32>
    %logistic3A_281 = arith.divf %logistic3A_279, %logistic3A_280 : vector<1000x256xf32>
    %mul3A_282 = arith.mulf %add3A_267, %logistic3A_281 : vector<1000x256xf32>
    %add3A_283 = arith.addf %mul3A_282, %add3A_275 : vector<1000x256xf32>
    %max3A_284 = arith.constant 0.000000e+00 : f32
    %max3A_285 = vector.broadcast %max3A_284 : f32 to vector<1000x256xf32>
    %max3A_286 = arith.maximumf %add3A_283, %max3A_285 : vector<1000x256xf32>
    %add3A_287 = arith.addf %add3A_262, %max3A_286 : vector<1000x256xf32>
    %mul3A_288 = arith.constant 1.000000e-01 : f32
    %mul3A_289 = vector.broadcast %mul3A_288 : f32 to vector<1000x256xf32>
    %mul3A_290 = arith.mulf %add3A_287, %mul3A_289 : vector<1000x256xf32>
    %get3A_291 = arith.constant 0 : index
    %get3A_292 = arith.constant 0 : index
    %get3A_293 = vector.load %arg6[%get3A_291, %get3A_292] : memref<256x128xf32, #tpu.memory_space<vmem>>, vector<256x128xf32>
    %dot_general3A_294 = arith.constant dense<0.000000e+00> : vector<1000x128xf32>
    %dot_general3A_295 = tpu.matmul %mul3A_290, %get3A_293, %dot_general3A_294 {dimension_numbers = #tpu.dot_dimension_numbers<[1], [0], [0], [1], [0, 0, 1, 1], [], []>, transpose_lhs_hint = false} : vector<1000x256xf32>, vector<256x128xf32>, vector<1000x128xf32> -> vector<1000x128xf32>
    %get3A_296 = arith.constant 0 : index
    %get3A_297 = arith.constant 0 : index
    %get3A_298 = arith.constant 0 : index
    %get3A_299 = vector.load %arg7[%get3A_296, %get3A_297, %get3A_298] : memref<2x1000x128xf32, #tpu.memory_space<vmem>>, vector<1x1000x1xf32>
    %get3A_300 = vector.shape_cast %get3A_299 : vector<1x1000x1xf32> to vector<1000x1xf32>
    %get3A_301 = arith.constant 1 : index
    %get3A_302 = arith.constant 0 : index
    %get3A_303 = arith.constant 0 : index
    %get3A_304 = vector.load %arg7[%get3A_301, %get3A_302, %get3A_303] : memref<2x1000x128xf32, #tpu.memory_space<vmem>>, vector<1x1000x1xf32>
    %get3A_305 = vector.shape_cast %get3A_304 : vector<1x1000x1xf32> to vector<1000x1xf32>
    %add3A_306 = arith.addf %get3A_300, %get3A_305 : vector<1000x1xf32>
    %add3A_307 = arith.constant 1.000000e+00 : f32
    %add3A_308 = vector.broadcast %add3A_307 : f32 to vector<1000x1xf32>
    %add3A_309 = arith.addf %add3A_306, %add3A_308 : vector<1000x1xf32>
    %rsqrt3A = math.rsqrt %add3A_309 : vector<1000x1xf32>
    %mul3A_310 = vector.broadcast %rsqrt3A : vector<1000x1xf32> to vector<1000x128xf32>
    %mul3A_311 = arith.mulf %dot_general3A_295, %mul3A_310 : vector<1000x128xf32>
    %swap3A = arith.constant 0 : index
    %swap3A_312 = arith.constant 0 : index
    %swap3A_313 = vector.load %arg8[%swap3A, %swap3A_312] : memref<1000x128xf32, #tpu.memory_space<vmem>>, vector<1000x128xf32>
    tpu.vector_store %arg8[%swap3A, %swap3A_312], %mul3A_311 {strides = array<i32>} : memref<1000x128xf32, #tpu.memory_space<vmem>>, vector<1000x128xf32>,
    return
  }
  func.func @transform_0(%arg0: i32) -> (i32, i32, i32) {
    %c0_i32 = arith.constant 0 : i32
    %c0_i32_0 = arith.constant 0 : i32
    %c0_i32_1 = arith.constant 0 : i32
    return %arg0, %c0_i32, %c0_i32_0 : i32, i32, i32
  }
  func.func @transform_1(%arg0: i32) -> (i32, i32) {
    %c0_i32 = arith.constant 0 : i32
    %c0_i32_0 = arith.constant 0 : i32
    %c0_i32_1 = arith.constant 0 : i32
    return %c0_i32, %c0_i32_0 : i32, i32
  }
  func.func @transform_2(%arg0: i32) -> (i32, i32) {
    %c0_i32 = arith.constant 0 : i32
    %c0_i32_0 = arith.constant 0 : i32
    %c0_i32_1 = arith.constant 0 : i32
    return %c0_i32, %c0_i32_0 : i32, i32
  }
  func.func @transform_3(%arg0: i32) -> (i32, i32) {
    %c0_i32 = arith.constant 0 : i32
    %c0_i32_0 = arith.constant 0 : i32
    %c0_i32_1 = arith.constant 0 : i32
    return %c0_i32, %c0_i32_0 : i32, i32
  }
  func.func @transform_4(%arg0: i32) -> (i32, i32) {
    %c0_i32 = arith.constant 0 : i32
    %c0_i32_0 = arith.constant 0 : i32
    %c0_i32_1 = arith.constant 0 : i32
    return %c0_i32, %c0_i32_0 : i32, i32
  }
  func.func @transform_5(%arg0: i32) -> (i32, i32) {
    %c0_i32 = arith.constant 0 : i32
    %c0_i32_0 = arith.constant 0 : i32
    %c0_i32_1 = arith.constant 0 : i32
    return %c0_i32, %c0_i32_0 : i32, i32
  }
  func.func @transform_6(%arg0: i32) -> (i32, i32, i32) {
    %c0_i32 = arith.constant 0 : i32
    %c0_i32_0 = arith.constant 0 : i32
    %c0_i32_1 = arith.constant 0 : i32
    return %c0_i32, %arg0, %c0_i32_0 : i32, i32, i32
  }
  func.func @transform_7(%arg0: i32) -> (i32, i32) {
    %c0_i32 = arith.constant 0 : i32
    %c0_i32_0 = arith.constant 0 : i32
    return %arg0, %c0_i32 : i32, i32
  }
}

module attributes {stable_mosaic.version = 14 : i64} {
  func.func @_final_body(%arg0: i32, %arg1: memref<2x1000x128xf32, #tpu.memory_space<vmem>>, %arg2: memref<1000x128xf32, #tpu.memory_space<vmem>>, %arg3: memref<2x1000x128xf32, #tpu.memory_space<vmem>>, %arg4: memref<1x128xf32, #tpu.memory_space<vmem>>, %arg5: memref<1000x128xf32, #tpu.memory_space<vmem>>) attributes {dimension_semantics = [#tpu.dimension_semantics<arbitrary>], iteration_bounds = array<i64: 10>, scalar_prefetch = 0 : i64, scratch_operands = 0 : i64, tpu.core_type = #tpu.core_type<tc>, window_params = [{transform_indices = @transform_0, window_bounds = array<i64: 2, 1000, 128>}, {transform_indices = @transform_1, window_bounds = array<i64: 1000, 128>}, {transform_indices = @transform_2, window_bounds = array<i64: 2, 1000, 128>}, {pipeline_mode = #tpu.pipeline_mode<synchronous>, transform_indices = @transform_3, window_bounds = array<i64: 1, 128>}, {transform_indices = @transform_4, window_bounds = array<i64: 1000, 128>}]} {
    %get3A = arith.constant 0 : index
    %get3A_0 = arith.constant 0 : index
    %get3A_1 = arith.constant 0 : index
    %get3A_2 = vector.load %arg3[%get3A, %get3A_0, %get3A_1] : memref<2x1000x128xf32, #tpu.memory_space<vmem>>, vector<1x1000x1xf32>
    %get3A_3 = vector.shape_cast %get3A_2 : vector<1x1000x1xf32> to vector<1000x1xf32>
    %get3A_4 = arith.constant 1 : index
    %get3A_5 = arith.constant 0 : index
    %get3A_6 = arith.constant 0 : index
    %get3A_7 = vector.load %arg3[%get3A_4, %get3A_5, %get3A_6] : memref<2x1000x128xf32, #tpu.memory_space<vmem>>, vector<1x1000x1xf32>
    %get3A_8 = vector.shape_cast %get3A_7 : vector<1x1000x1xf32> to vector<1000x1xf32>
    %add3A = arith.addf %get3A_3, %get3A_8 : vector<1000x1xf32>
    %add3A_9 = arith.constant 1.000000e+00 : f32
    %add3A_10 = vector.broadcast %add3A_9 : f32 to vector<1000x1xf32>
    %add3A_11 = arith.addf %add3A, %add3A_10 : vector<1000x1xf32>
    %rsqrt3A = math.rsqrt %add3A_11 : vector<1000x1xf32>
    %get3A_12 = arith.constant 0 : index
    %get3A_13 = arith.constant 0 : index
    %get3A_14 = arith.constant 0 : index
    %get3A_15 = vector.load %arg1[%get3A_12, %get3A_13, %get3A_14] : memref<2x1000x128xf32, #tpu.memory_space<vmem>>, vector<1x1000x128xf32>
    %get3A_16 = vector.shape_cast %get3A_15 : vector<1x1000x128xf32> to vector<1000x128xf32>
    %get3A_17 = arith.constant 1 : index
    %get3A_18 = arith.constant 0 : index
    %get3A_19 = arith.constant 0 : index
    %get3A_20 = vector.load %arg1[%get3A_17, %get3A_18, %get3A_19] : memref<2x1000x128xf32, #tpu.memory_space<vmem>>, vector<1x1000x128xf32>
    %get3A_21 = vector.shape_cast %get3A_20 : vector<1x1000x128xf32> to vector<1000x128xf32>
    %add3A_22 = arith.addf %get3A_16, %get3A_21 : vector<1000x128xf32>
    %get3A_23 = arith.constant 0 : index
    %get3A_24 = arith.constant 0 : index
    %get3A_25 = vector.load %arg2[%get3A_23, %get3A_24] : memref<1000x128xf32, #tpu.memory_space<vmem>>, vector<1000x128xf32>
    %add3A_26 = arith.addf %add3A_22, %get3A_25 : vector<1000x128xf32>
    %mul3A = vector.broadcast %rsqrt3A : vector<1000x1xf32> to vector<1000x128xf32>
    %mul3A_27 = arith.mulf %add3A_26, %mul3A : vector<1000x128xf32>
    %get3A_28 = arith.constant 0 : index
    %get3A_29 = arith.constant 0 : index
    %get3A_30 = vector.load %arg4[%get3A_28, %get3A_29] : memref<1x128xf32, #tpu.memory_space<vmem>>, vector<1x128xf32>
    %add3A_31 = vector.broadcast %get3A_30 : vector<1x128xf32> to vector<1000x128xf32>
    %add3A_32 = arith.addf %mul3A_27, %add3A_31 : vector<1000x128xf32>
    %max3A = arith.constant 0.000000e+00 : f32
    %max3A_33 = vector.broadcast %max3A : f32 to vector<1000x128xf32>
    %max3A_34 = arith.maximumf %add3A_32, %max3A_33 : vector<1000x128xf32>
    %swap3A = arith.constant 0 : index
    %swap3A_35 = arith.constant 0 : index
    %swap3A_36 = vector.load %arg5[%swap3A, %swap3A_35] : memref<1000x128xf32, #tpu.memory_space<vmem>>, vector<1000x128xf32>
    tpu.vector_store %arg5[%swap3A, %swap3A_35], %max3A_34 {strides = array<i32>} : memref<1000x128xf32, #tpu.memory_space<vmem>>, vector<1000x128xf32>,
    return
  }
  func.func @transform_0(%arg0: i32) -> (i32, i32, i32) {
    %c0_i32 = arith.constant 0 : i32
    %c0_i32_0 = arith.constant 0 : i32
    %c0_i32_1 = arith.constant 0 : i32
    return %c0_i32, %arg0, %c0_i32_0 : i32, i32, i32
  }
  func.func @transform_1(%arg0: i32) -> (i32, i32) {
    %c0_i32 = arith.constant 0 : i32
    %c0_i32_0 = arith.constant 0 : i32
    return %arg0, %c0_i32 : i32, i32
  }
  func.func @transform_2(%arg0: i32) -> (i32, i32, i32) {
    %c0_i32 = arith.constant 0 : i32
    %c0_i32_0 = arith.constant 0 : i32
    %c0_i32_1 = arith.constant 0 : i32
    return %c0_i32, %arg0, %c0_i32_0 : i32, i32, i32
  }
  func.func @transform_3(%arg0: i32) -> (i32, i32) {
    %c0_i32 = arith.constant 0 : i32
    %c0_i32_0 = arith.constant 0 : i32
    %c0_i32_1 = arith.constant 0 : i32
    return %c0_i32, %c0_i32_0 : i32, i32
  }
  func.func @transform_4(%arg0: i32) -> (i32, i32) {
    %c0_i32 = arith.constant 0 : i32
    %c0_i32_0 = arith.constant 0 : i32
    return %arg0, %c0_i32 : i32, i32
  }
}

</mosaic_0001>

<sc_bundles>
// kernel: kernel.6.cloned.1.call-start
scs
__scs_entry_jumppad:
0x0: {  	(pc) =	sbr.rel $0x88, $3  }
0x1: {  	(tag) =	ssettag $0x0;
	lr =	simm.s32 $0x1  }
0x2: {  	[smem:$0x3F97] =	sst lr;
	_ =	strace $0xD0000000  }
0x3: {  	_ = 	snop  }
0x4: {  	_ = 	snop  }
0x5: {  	_ = 	snop  }
0x6: {  	_ = 	snop  }
0x7: {  	_ = 	snop  }
__scs_overlays_trampoline_lowered:
0x8: {  	[smem:$0x3FA6] =	sst s0  }
0x9: {  	[smem:$0x3FA7] =	sst s1  }
0xa: {  	[smem:$0x3FA8] =	sst s2  }
0xb: {  	[smem:$0x3FA9] =	sst s3  }
0xc: {  	[smem:$0x3FAA] =	sst s4  }
0xd: {  	[smem:$0x3FAB] =	sst s5  }
0xe: {  	[smem:$0x3FAC] =	sst s6  }
0xf: {  	[smem:$0x3FAD] =	sst s7  }
0x10: {  	[smem:$0x3FAE] =	sst s8  }
0x11: {  	[smem:$0x3FAF] =	sst s9;
	s0 =	simm.s32 @!p0 $0x0  }
0x12: {  	s1 =	sld [smem:$0x3F95];
	s0 =	simm.s32 @p0 $0x1  }
0x13: {  	[smem:$0x3FB0] =	sst s0;
	s0 =	simm.s32 @!p1 $0x0  }
0x14: {  	s2 =	sld [smem:$0x3F94];
	s0 =	simm.s32 @p1 $0x1  }
0x15: {  	[smem:$0x3FB1] =	sst s0;
	s0 =	simm.s32 @!p2 $0x0  }
0x16: {  	s3 =	sld [smem:$0x3FDB];
	s0 =	simm.s32 @p2 $0x1  }
0x17: {  	s4 =	simm.s32 $0x1BF5;
	[smem:$0x3FB3] =	sst s0  }
0x18: {  	s0 =	sld [smem:$0x3F96];
	_ =	swait.ge [sflag:s4], $0x0  }
0x19: {  	s7 =	sld [smem:$0x3F97]  }
0x1a: {  	s8 =	sadd.s32 $0xFFFFE003, lr  }
0x1b: {  	s9 =	sadd.s32 $0xFFFFFEF7, lr;
	s5 =	simm.s32 $0xFFFFFFFF;
	p2 =	slt.u32 s8, $0xFFFFF086  }
0x1c: {  	p1 =	slt.u32 s9, $0xF7A;
	s5 =	simm.s32 @!p2 $0x0  }
0x1d: {  	s5 =	simm.s32 @p1 $0x1;
	p0 =	seq.s32 s7, s2  }
0x1e: {  	s7 =	smul.u32 @!p0 $0xF7A, s2;
	p2 =	seq.s32 @!p0 s5, $0x0  }
0x1f: {  	s9 =	smul.u32 $0xF7A, s1;
	s8 =	simm.s32 @!p0 $0x1BF5;
	p2 =	por !p2, p0  }
0x20: {  	[sflag:s8] =	ssyncset.s32 @!p0 $0xFFFFF086;
	s6 =	sadd.s32 @!p0 s3, s7;
	s7 =	simm.s32 @!p0 $0x108  }
0x21: {  	s3 =	sadd.s32 s3, s9;
	s6 =	sadd.s32 @!p0 $0x88, s6;
	s7 =	simm.s32 @p2 $0x1082  }
0x22: {  	[simem:s7], [sflag:s8] =	dma.local @!p0 [hbm:s6], $0xF7A  }
0x23: {  	s9 =	sor.u32 $0xD0000000, s2;
	s6 =	simm.s32 $0x108;
	_ =	swait.ge @!p0 [sflag:s8], $0x0  }
0x24: {  	s3 =	sadd.s32 $0x88, s3;
	s6 =	simm.s32 @!p1 $0x1082;
	[sflag:s4] =	ssyncset.s32 $0xFFFFF086  }
0x25: {  	[simem:s6], [sflag:s4] =	dma.local [hbm:s3], $0xF7A  }
0x26: {  	[smem:$0x3F97] =	sst s1;
	(tag) =	ssettag s2;
	_ =	strace s9  }
0x27: {  	s1 =	sld [smem:$0x3FA7]  }
0x28: {  	s2 =	sld [smem:$0x3FA8]  }
0x29: {  	s4 =	sld [smem:$0x3FAA]  }
0x2a: {  	p0 =	seq.s32 s5, $0x0;
	s5 =	sld [smem:$0x3FAB]  }
0x2b: {  	s6 =	sld [smem:$0x3FAC]  }
0x2c: {  	s7 =	sld [smem:$0x3FAD]  }
0x2d: {  	s3 =	simm.s32 $0x108;
	s8 =	sld [smem:$0x3FAE]  }
0x2e: {  	s3 =	simm.s32 @!p0 $0x1082;
	s9 =	sld [smem:$0x3FAF]  }
0x2f: {  	lr =	sadd.s32 s0, s3;
	s0 =	sld [smem:$0x3FA6]  }
0x30: {  	s3 =	sld [smem:$0x3FA9]  }
0x31: {  	[smem:$0x3FB2] =	sst s10  }
0x32: {  	s10 =	sld [smem:$0x3FB0];
	_ =	sdelay $0x3  }
0x33: {  	p0 =	seq.s32 s10, $0x1;
	s10 =	sld [smem:$0x3FB2];
	_ =	sdelay $0x3  }
0x34: {  	[smem:$0x3FB2] =	sst s10  }
0x35: {  	s10 =	sld [smem:$0x3FB1];
	_ =	sdelay $0x3  }
0x36: {  	p1 =	seq.s32 s10, $0x1;
	s10 =	sld [smem:$0x3FB2];
	_ =	sdelay $0x3  }
0x37: {  	[smem:$0x3FB2] =	sst s10  }
0x38: {  	s10 =	sld [smem:$0x3FB3]  }
0x39: {  	_ = 	snop;
	(pc) =	sbr.ind lr, $3  }
0x3a: {  	_ = 	snop  }
0x3b: {  	_ = 	snop  }
0x3c: {  	p2 =	seq.s32 s10, $0x1;
	s10 =	sld [smem:$0x3FB2]  }
0x3d: {  	_ =	shalt  }
0x3e: {  	_ =	shalt  }
0x3f: {  	_ =	shalt  }
0x40: {  	_ =	shalt  }
0x41: {  	_ =	shalt  }
0x42: {  	_ =	shalt  }
0x43: {  	_ =	shalt  }
0x44: {  	_ =	shalt  }
0x45: {  	_ =	shalt  }
0x46: {  	_ =	shalt  }
0x47: {  	_ =	shalt  }
0x48: {  	_ =	shalt  }
0x49: {  	_ =	shalt  }
0x4a: {  	_ =	shalt  }
0x4b: {  	_ =	shalt  }
0x4c: {  	_ =	shalt  }
0x4d: {  	_ =	shalt  }
0x4e: {  	_ =	shalt  }
0x4f: {  	_ =	shalt  }
0x50: {  	_ =	shalt  }
0x51: {  	_ =	shalt  }
0x52: {  	_ =	shalt  }
0x53: {  	_ =	shalt  }
0x54: {  	_ =	shalt  }
0x55: {  	_ =	shalt  }
0x56: {  	_ =	shalt  }
0x57: {  	_ =	shalt  }
0x58: {  	_ =	shalt  }
0x59: {  	_ =	shalt  }
0x5a: {  	_ =	shalt  }
0x5b: {  	_ =	shalt  }
0x5c: {  	_ =	shalt  }
0x5d: {  	_ =	shalt  }
0x5e: {  	_ =	shalt  }
0x5f: {  	_ =	shalt  }
0x60: {  	_ =	shalt  }
0x61: {  	_ =	shalt  }
0x62: {  	_ =	shalt  }
0x63: {  	_ =	shalt  }
0x64: {  	_ =	shalt  }
0x65: {  	_ =	shalt  }
0x66: {  	_ =	shalt  }
0x67: {  	_ =	shalt  }
0x68: {  	_ =	shalt  }
0x69: {  	_ =	shalt  }
0x6a: {  	_ =	shalt  }
0x6b: {  	_ =	shalt  }
0x6c: {  	_ =	shalt  }
0x6d: {  	_ =	shalt  }
0x6e: {  	_ =	shalt  }
0x6f: {  	_ =	shalt  }
0x70: {  	_ =	shalt  }
0x71: {  	_ =	shalt  }
0x72: {  	_ =	shalt  }
0x73: {  	_ =	shalt  }
0x74: {  	_ =	shalt  }
0x75: {  	_ =	shalt  }
0x76: {  	_ =	shalt  }
0x77: {  	_ =	shalt  }
0x78: {  	_ =	shalt  }
0x79: {  	_ =	shalt  }
0x7a: {  	_ =	shalt  }
0x7b: {  	_ =	shalt  }
0x7c: {  	_ =	shalt  }
0x7d: {  	_ =	shalt  }
0x7e: {  	_ =	shalt  }
0x7f: {  	_ =	shalt  }
0x80: {  	_ =	shalt  }
0x81: {  	_ =	shalt  }
0x82: {  	_ =	shalt  }
0x83: {  	_ =	shalt  }
0x84: {  	_ =	shalt  }
0x85: {  	_ =	shalt  }
0x86: {  	_ =	shalt  }
0x87: {  	_ =	shalt  }
.Lfunc_end0:
.L_simem_size_0:
called_computation_lowered:
.L_overlay_start_0:
0x88: {  	s2 =	sld [smem:$0x3FD9]  }
0x89: {  	s3 =	sld [smem:$0x3FFE];
	_ =	sdelay $0x1  }
0x8a: {  	s1 =	srdreg.scid  }
0x8b: {  	s0 =	sand.u32 $0x1, s1  }
0x8c: {  	s16 =	sshll.u32 s0, $0xA;
	s2 =	sadd.s32 s3, s2  }
0x8d: {  	s2 =	sadd.s32 s2, s16  }
0x8e: {  	[smem:$0x3FBE] =	sst s2  }
0x8f: {  	_ = 	snop  }
0x90: {  	(tm) =	ssettm $0x1  }
0x91: {  	s17 =	sld [smem:$0x3FFB];
	_ =	sdelay $0x3  }
0x92: {  	_ =	strace s17  }
0x93: {  	s2 =	sld [smem:$0x3FFC];
	_ =	sdelay $0x3  }
0x94: {  	_ =	strace s2  }
0x95: {  	s2 =	sld [smem:$0x3FFD];
	_ =	sdelay $0x3  }
0x96: {  	_ =	strace s2  }
0x97: {  	_ =	strace $0x8FFFFFFF  }
0x98: {  	s18 =	sld [smem:$0x3FDB];
	_ =	sdelay $0x1  }
0x99: {  	s19 =	simm.s32 $_scs_section_size  }
0x9a: {  	s4 =	simm.s32 $_size__tile_overlayer_lowered;
	s5 =	simm.s32 $_tile_overlayer_lowered  }
0x9b: {  	s22 =	simm.s32 $0x1BFF;
	s21 =	sshll.u32 s5, $0x1;
	s2 =	sadd.s32 s19, s18  }
0x9c: {  	s6 =	simm.s32 $0x0;
	s20 =	sshll.u32 s4, $0x1;
	s4 =	sadd.s32 s21, s2  }
0x9d: {  	[timem:s6], [sflag:s22] =	dma.local [hbm:s4], s20  }
0x9e: {  	_ =	swait.ge [sflag:s22], s20  }
0x9f: {  	s3 =	ssub.s32 $0x0, s20;
	[sflag:s22] =	ssyncset.done $0x0  }
0xa0: {  	[sflag:s22] =	ssyncadd.s32 s3;
	_ =	sdelay $0x1  }
0xa1: {  	s23 =	simm.s32 $0x1B8B  }
0xa2: {  	_ =	swait.ge [sflag:s23], $0x1  }
0xa3: {  	[sflag:s23] =	ssyncset.done $0x0  }
0xa4: {  	s25 =	simm.s32 $0x1B8E;
	s24 =	sld [smem:$0x3FFE];
	[sflag:s23] =	ssyncadd.s32 $0xFFFFFFFF  }
0xa5: {  	s26 =	simm.s32 $execute0_lowered;
	[smem:$0x3FD2] =	sst s25  }
0xa6: {  	s4 =	sshll.u32 s26, $0x1;
	_ =	strace $0x80000046;
	[dreg:$0x1] =	wrdreg $0xFFFFFFFF  }
0xa7: {  	s28 =	simm.s32 $_size_execute0_lowered;
	s2 =	sadd.s32 s2, s4;
	[dreg:$0x0] =	wrdreg $0x0  }
0xa8: {  	s4 =	sshll.u32 s28, $0x1;
	[dreg:$0x2] =	wrdreg s2  }
0xa9: {  	[dreg:$0x3] =	wrdreg s4  }
0xaa: {  	[dreg:$0x4] =	wrdreg $0xC0  }
0xab: {  	_ =	task [dreg:s6], $0x5FFFF  }
0xac: {  	[dreg:$0x1] =	wrdreg $0xFFFFFFFF  }
0xad: {  	[dreg:$0x0] =	wrdreg $0x60  }
0xae: {  	[dreg:$0x2] =	wrdreg s24  }
0xaf: {  	[dreg:$0x3] =	wrdreg $0x42000  }
0xb0: {  	[dreg:$0x4] =	wrdreg $0x9  }
0xb1: {  	_ =	task.clear_ibuf [dreg:s6], $0x5FFFF;
	_ =	strace $0x90000046  }
0xb2: {  	s29 =	simm.s32 $0x9;
	_ =	strace $0x80000048  }
0xb3: {  	_ =	swait.ge [sflag:s29], $0x1  }
0xb4: {  	[sflag:s29] =	ssyncadd.s32 $0xFFFFFFFF  }
0xb5: {  	_ =	strace $0x90000048  }
0xb6: {  	_ =	sfence  }
0xb7: {  	s30 =	sld [smem:$0x0];
	_ =	sdelay $0x2  }
0xb8: {  	s31 =	sshll.u32 s1, $0xD;
	s1 =	sshrl.u32 s1, $0x2  }
0xb9: {  	s3 =	sand.u32 $0x4000, s31;
	s1 =	sadd.s32 s1, s30  }
0xba: {  	s0 =	sor.u32 s3, s0;
	s1 =	sshll.u32 s1, $0x11  }
0xbb: {  	s0 =	sor.u32 s1, s0  }
0xbc: {  	s0 =	sadd.s32 $0x8F2B, s0  }
0xbd: {  	[sflag:s0] =	ssyncadd.remote.s32 $0x1  }
0xbe: {  	_ =	sfence.sel $0xFFFF  }
0xbf: {  	[dreg:$0x0] =	wrdreg $0xFFFFFFFF;
	(pc) =	sbr.abs _section_cstart, $3  }
0xc0: {  	[dreg:$0x1] =	wrdreg $0xFFFFFFFF  }
0xc1: {  	_ =	task.clear_ibuf [dreg:s6], $0x2FFFF;
	_ =	strace $0x9FFFFFFF  }
0xc2: {  	(tm) =	ssettm $0x7FFFFFFF  }
0xc3: {  	_ =	shalt  }
tec
execute0_lowered:
.L_overlay_start_1:
0x0: {  	(tag) =	ssettag $0x1  }
0x1: {  	s4 =	rddreg [dreg:$0x0]  }
0x2: {  	s2 =	rddreg [dreg:$0x1]  }
0x3: {  	s0 =	srdreg.scid;
	s1 =	rddreg [dreg:$0x2]  }
0x4: {  	s3 =	simm.s32 $0x0;
	s13 =	simm.s32 $0x1;
	s5 =	sand.u32 $0x1, s0  }
0x5: {  	s14 =	simm.s32 $0x80;
	s0 =	stileid.u32;
	s6 =	smul.u32 $0x13C000, s5  }
0x6: {  	s15 =	simm.s32 $0x100;
	s16 =	simm.s32 $0x180;
	s7 =	smul.u32 $0x13C00, s0  }
0x7: {  	s19 =	simm.s32 $0x0;
	[smem:$0x7FF] =	sst s3;
	s8 =	smul.u32 $0x5000, s5  }
0x8: {  	s29 =	smul.u32 $0x4F000, s0;
	_ =	strace $0x80000047;
	s5 =	ssub.s32 $0x2, s5  }
0x9: {  	s11 =	smul.u32 $0x500, s0;
	s17 =	sshll.u32 s0, $0x6;
	s31 =	sshrl.u32 s5, $0x1  }
0xa: {  	s17 =	sor.u32 $0x1C01, s17;
	s6 =	sadd.s32 s7, s6;
	s9 =	sadd.s32 s8, s4  }
0xb: {  	s30 =	sshrl.u32 s29, $0x2;
	s12 =	ssub.s32 s5, s31;
	s6 =	sshrl.u32 s6, $0x3  }
0xc: {  	s11 =	sadd.s32 s11, s9;
	s10 =	sadd.s32 s6, s4;
	s4 =	sadd.s32 s30, s2  }
0xd: {  	s11 =	sadd.s32 $0x1600, s11;
	s5 =	sadd.s32 $0x4000, s4;
	s6 =	sadd.s32 $0x8000, s4  }
0xe: {  	s7 =	sadd.s32 $0xC000, s4;
	s8 =	sadd.s32 $0x10000, s4;
	s9 =	sadd.s32 $0xB600, s10  }
0xf: {  	v0 =	vimm.f32 $0.0e+00;
	v1 =	vimm.f32 $1.000000000e+00;
	s10 =	smax.u32 s12, $0x1;
	s12 =	simm.s32 $0x200;
	s18 =	sshrl.u32 s4, $0x3  }
.LBB2_1:
0x10: {  	s20 =	simm.s32 $0x0;
	s21 =	simm.s32 $0x200  }
.LBB2_2:
0x11: {  	p0 =	sne.s32 s21, $0xFE00;
	[tilespmem:s20+$0x270] =	vst v0  }
0x12: {  	[tilespmem:s20+$0x200] =	vst v0  }
0x13: {  	[tilespmem:s20+$0x210] =	vst v0  }
.Ltmp0:
0x14: {  	[tilespmem:s20+$0x220] =	vst v0;
	(pc) =	sbr.rel @p0 .LBB2_2-.Ltmp0, $4  }
0x15: {  	[tilespmem:s20+$0x230] =	vst v0  }
0x16: {  	[tilespmem:s20+$0x240] =	vst v0  }
0x17: {  	[tilespmem:s20+$0x250] =	vst v0  }
0x18: {  	[tilespmem:s20+$0x260] =	vst v0;
	s20 =	sshra.s32 s21, $0x2;
	s21 =	sadd.s32 $0x200, s21  }
0x19: {  	[tilespmem:s20+$0x270] =	vst v0  }
0x1a: {  	[tilespmem:s20+$0x200] =	vst v0  }
0x1b: {  	[tilespmem:s20+$0x210] =	vst v0  }
0x1c: {  	[tilespmem:s20+$0x220] =	vst v0  }
0x1d: {  	[tilespmem:s20+$0x230] =	vst v0  }
0x1e: {  	[tilespmem:s20+$0x240] =	vst v0  }
0x1f: {  	[tilespmem:s20+$0x250] =	vst v0  }
0x20: {  	[tilespmem:s20+$0x260] =	vst v0  }
0x21: {  	[spmem:s4] =	stream.linear.scatter [tilespmem:s12], [sflag:$0x1], $0x4000, $0x38;
	[tilespmem:$0x17E00] =	vst v63  }
0x22: {  	_ =	swait.ge [sflag:s13], $0x4000  }
0x23: {  	[sflag:s13] =	ssyncset.done $0x0  }
0x24: {  	[sflag:s13] =	ssyncadd.s32 $0xFFFFC000  }
0x25: {  	[spmem:s5] =	stream.linear.scatter [tilespmem:s12], [sflag:$0x1], $0x4000, $0x38;
	[tilespmem:$0x17E00] =	vst v63  }
0x26: {  	_ =	swait.ge [sflag:s13], $0x4000  }
0x27: {  	[sflag:s13] =	ssyncset.done $0x0  }
0x28: {  	[sflag:s13] =	ssyncadd.s32 $0xFFFFC000  }
0x29: {  	[spmem:s6] =	stream.linear.scatter [tilespmem:s12], [sflag:$0x1], $0x4000, $0x38;
	[tilespmem:$0x17E00] =	vst v63  }
0x2a: {  	_ =	swait.ge [sflag:s13], $0x4000  }
0x2b: {  	[sflag:s13] =	ssyncset.done $0x0  }
0x2c: {  	[sflag:s13] =	ssyncadd.s32 $0xFFFFC000  }
0x2d: {  	[spmem:s7] =	stream.linear.scatter [tilespmem:s12], [sflag:$0x1], $0x4000, $0x38;
	[tilespmem:$0x17E00] =	vst v63  }
0x2e: {  	_ =	swait.ge [sflag:s13], $0x4000  }
0x2f: {  	[sflag:s13] =	ssyncset.done $0x0  }
0x30: {  	[sflag:s13] =	ssyncadd.s32 $0xFFFFC000  }
0x31: {  	[spmem:s8] =	stream.linear.scatter [tilespmem:s12], [sflag:$0x1], $0x3C00, $0x38;
	[tilespmem:$0x17E00] =	vst v63  }
0x32: {  	_ =	swait.ge [sflag:s13], $0x3C00  }
0x33: {  	[sflag:s13] =	ssyncset.done $0x0  }
0x34: {  	s20 =	simm.s32 $0x0;
	s21 =	simm.s32 $0x200;
	[sflag:s13] =	ssyncadd.s32 $0xFFFFC400  }
.LBB2_4:
0x35: {  	p0 =	sne.s32 s21, $0xFE00;
	[tilespmem:s20+$0x270] =	vst v1  }
0x36: {  	[tilespmem:s20+$0x200] =	vst v1  }
0x37: {  	[tilespmem:s20+$0x210] =	vst v1  }
.Ltmp1:
0x38: {  	[tilespmem:s20+$0x220] =	vst v1;
	(pc) =	sbr.rel @p0 .LBB2_4-.Ltmp1, $4  }
0x39: {  	[tilespmem:s20+$0x230] =	vst v1  }
0x3a: {  	[tilespmem:s20+$0x240] =	vst v1  }
0x3b: {  	[tilespmem:s20+$0x250] =	vst v1  }
0x3c: {  	[tilespmem:s20+$0x260] =	vst v1;
	s20 =	sshra.s32 s21, $0x2;
	s21 =	sadd.s32 $0x200, s21  }
0x3d: {  	[tilespmem:s20+$0x270] =	vst v1  }
0x3e: {  	[tilespmem:s20+$0x200] =	vst v1  }
0x3f: {  	[tilespmem:s20+$0x210] =	vst v1  }
0x40: {  	[tilespmem:s20+$0x220] =	vst v1  }
0x41: {  	[tilespmem:s20+$0x230] =	vst v1  }
0x42: {  	[tilespmem:s20+$0x240] =	vst v1  }
0x43: {  	[tilespmem:s20+$0x250] =	vst v1  }
0x44: {  	[tilespmem:s20+$0x260] =	vst v1  }
0x45: {  	s31 =	sadd.s32 $0x0, s11;
	[bflag:$0x0] =	sbarrier.arrive $0xFFFF  }
0x46: {  	[tilespmem:s3], [sflag:$0x1] =	stream.linear.gather [hbm4b:s31+s3], $0x200, $0x38;
	[tilespmem:$0x17E00] =	vst v63  }
0x47: {  	_ =	swait.ge [sflag:s13], $0x200  }
0x48: {  	[sflag:s13] =	ssyncset.done $0x0  }
0x49: {  	[sflag:s13] =	ssyncadd.s32 $0xFFFFFE00  }
0x4a: {  	[spmem:s2] =	stream.indirect.scatter.add.f32 [tilespmem:s12], [sflag:$0x1], $0x80, s3, s14, $0xb8;
	[tilespmem:$0x17E00] =	vst v63  }
0x4b: {  	_ =	swait.ge [sflag:s13], $0x4000  }
0x4c: {  	[sflag:s13] =	ssyncset.done $0x0  }
0x4d: {  	[sflag:s13] =	ssyncadd.s32 $0xFFFFC000  }
0x4e: {  	[spmem:s2] =	stream.indirect.scatter.add.f32 [tilespmem:s12], [sflag:$0x1], $0x80, s14, s14, $0xb8;
	[tilespmem:$0x17E00] =	vst v63  }
0x4f: {  	_ =	swait.ge [sflag:s13], $0x4000  }
0x50: {  	[sflag:s13] =	ssyncset.done $0x0  }
0x51: {  	[sflag:s13] =	ssyncadd.s32 $0xFFFFC000  }
0x52: {  	[spmem:s2] =	stream.indirect.scatter.add.f32 [tilespmem:s12], [sflag:$0x1], $0x80, s15, s14, $0xb8;
	[tilespmem:$0x17E00] =	vst v63  }
0x53: {  	_ =	swait.ge [sflag:s13], $0x4000  }
0x54: {  	[sflag:s13] =	ssyncset.done $0x0  }
0x55: {  	[sflag:s13] =	ssyncadd.s32 $0xFFFFC000  }
0x56: {  	[spmem:s2] =	stream.indirect.scatter.add.f32 [tilespmem:s12], [sflag:$0x1], $0x80, s16, s14, $0xb8;
	[tilespmem:$0x17E00] =	vst v63  }
0x57: {  	_ =	swait.ge [sflag:s13], $0x4000  }
0x58: {  	s20 =	simm.s32 $0x40;
	s21 =	simm.s32 $0x80;
	[sflag:s13] =	ssyncset.done $0x0  }
.LBB2_6:
0x59: {  	s22 =	sadd.s32 s20, s11  }
0x5a: {  	[sflag:s13] =	ssyncadd.s32 $0xFFFFC000;
	s20 =	smov.u32 s21;
	s23 =	sadd.s32 $0x40, s21  }
0x5b: {  	[tilespmem:s3], [sflag:$0x1] =	stream.linear.gather [hbm4b:s22+s3], $0x200, $0x38;
	[tilespmem:$0x17E00] =	vst v63  }
0x5c: {  	p0 =	sne.s32 s21, $0x4C0;
	_ =	swait.ge [sflag:s13], $0x200  }
0x5d: {  	[sflag:s13] =	ssyncset.done $0x0  }
0x5e: {  	[sflag:s13] =	ssyncadd.s32 $0xFFFFFE00  }
0x5f: {  	[spmem:s2] =	stream.indirect.scatter.add.f32 [tilespmem:s12], [sflag:$0x1], $0x80, s3, s14, $0xb8;
	[tilespmem:$0x17E00] =	vst v63  }
0x60: {  	_ =	swait.ge [sflag:s13], $0x4000  }
0x61: {  	[sflag:s13] =	ssyncset.done $0x0  }
0x62: {  	[sflag:s13] =	ssyncadd.s32 $0xFFFFC000  }
0x63: {  	[spmem:s2] =	stream.indirect.scatter.add.f32 [tilespmem:s12], [sflag:$0x1], $0x80, s14, s14, $0xb8;
	[tilespmem:$0x17E00] =	vst v63  }
0x64: {  	_ =	swait.ge [sflag:s13], $0x4000  }
0x65: {  	[sflag:s13] =	ssyncset.done $0x0  }
0x66: {  	[sflag:s13] =	ssyncadd.s32 $0xFFFFC000  }
0x67: {  	[spmem:s2] =	stream.indirect.scatter.add.f32 [tilespmem:s12], [sflag:$0x1], $0x80, s15, s14, $0xb8;
	[tilespmem:$0x17E00] =	vst v63  }
0x68: {  	_ =	swait.ge [sflag:s13], $0x4000  }
.Ltmp2:
0x69: {  	[sflag:s13] =	ssyncset.done $0x0;
	(pc) =	sbr.rel @p0 .LBB2_6-.Ltmp2, $4  }
0x6a: {  	[sflag:s13] =	ssyncadd.s32 $0xFFFFC000  }
0x6b: {  	[spmem:s2] =	stream.indirect.scatter.add.f32 [tilespmem:s12], [sflag:$0x1], $0x80, s16, s14, $0xb8;
	[tilespmem:$0x17E00] =	vst v63  }
0x6c: {  	_ =	swait.ge [sflag:s13], $0x4000  }
0x6d: {  	s21 =	smov.u32 s23;
	[sflag:s13] =	ssyncset.done $0x0  }
0x6e: {  	s20 =	sadd.s32 s20, s11;
	[sflag:s13] =	ssyncadd.s32 $0xFFFFC000  }
0x6f: {  	[tilespmem:s3], [sflag:$0x1] =	stream.linear.gather [hbm4b:s20+s3], $0x200, $0x38;
	[tilespmem:$0x17E00] =	vst v63  }
0x70: {  	_ =	swait.ge [sflag:s13], $0x200  }
0x71: {  	[sflag:s13] =	ssyncset.done $0x0  }
0x72: {  	[sflag:s13] =	ssyncadd.s32 $0xFFFFFE00  }
0x73: {  	[spmem:s2] =	stream.indirect.scatter.add.f32 [tilespmem:s12], [sflag:$0x1], $0x80, s3, s14, $0xb8;
	[tilespmem:$0x17E00] =	vst v63  }
0x74: {  	_ =	swait.ge [sflag:s13], $0x4000  }
0x75: {  	[sflag:s13] =	ssyncset.done $0x0  }
0x76: {  	[sflag:s13] =	ssyncadd.s32 $0xFFFFC000  }
0x77: {  	[spmem:s2] =	stream.indirect.scatter.add.f32 [tilespmem:s12], [sflag:$0x1], $0x80, s14, s14, $0xb8;
	[tilespmem:$0x17E00] =	vst v63  }
0x78: {  	_ =	swait.ge [sflag:s13], $0x4000  }
0x79: {  	[sflag:s13] =	ssyncset.done $0x0  }
0x7a: {  	[sflag:s13] =	ssyncadd.s32 $0xFFFFC000  }
0x7b: {  	[spmem:s2] =	stream.indirect.scatter.add.f32 [tilespmem:s12], [sflag:$0x1], $0x80, s15, s14, $0xb8;
	[tilespmem:$0x17E00] =	vst v63  }
0x7c: {  	_ =	swait.ge [sflag:s13], $0x4000  }
0x7d: {  	[sflag:s13] =	ssyncset.done $0x0  }
0x7e: {  	[sflag:s13] =	ssyncadd.s32 $0xFFFFC000  }
0x7f: {  	[spmem:s2] =	stream.indirect.scatter.add.f32 [tilespmem:s12], [sflag:$0x1], $0x80, s16, s14, $0xb8;
	[tilespmem:$0x17E00] =	vst v63  }
0x80: {  	_ =	swait.ge [sflag:s13], $0x4000  }
0x81: {  	s19 =	sadd.s32 $0x1, s19;
	[sflag:s13] =	ssyncset.done $0x0  }
0x82: {  	p0 =	sne.s32 s19, s10;
	[sflag:s13] =	ssyncadd.s32 $0xFFFFC000  }
.Ltmp3:
0x83: {  	[bflag:$0x0] =	sbarrier.arrive $0xFFFF;
	(pc) =	sbr.rel @p0 .LBB2_1-.Ltmp3, $4  }
0x84: {  	[hbm:s9], [sflag:s17] =	dma.local [spmem:s18], $0x2780  }
0x85: {  	_ =	swait.ge [sflag:s13], $0x2780  }
0x86: {  	[sflag:s13] =	ssyncset.done $0x0  }
0x87: {  	[sflag:s13] =	ssyncadd.s32 $0xFFFFD880  }
0x88: {  	_ =	sfence.sel $0x180000  }
0x89: {  	[bflag:$0x0] =	sbarrier.arrive $0xFFFF  }
0x8a: {  	p0 =	sne.s32 s0, $0x0;
	_ =	strace $0x90000047  }
0x8b: {  	s0 =	sadd.s32 @!p0 $0x100000, s1;
	[bflag:$0x2] =	sbarrier.arrive $0xFFFF  }
0x8c: {  	[sflag:s0] =	ssyncadd.tile.s32 @!p0 $0x1;
	_ =	shalt  }
.Lfunc_end2:
_tile_overlayer_lowered:
.L_overlay_start_2:
0x8d: {  	(tag) =	ssettag $0x2  }
0x8e: {  	s0 =	rddreg [dreg:$0x0];
	s2 =	stileid.u32  }
0x8f: {  	s1 =	rddreg [dreg:$0x1];
	p0 =	sne.s32 s2, $0x0  }
0x90: {  	s3 =	rddreg [dreg:$0x2];
	[bflag:$0x3] =	sbarrier.arrive $0xFFFF;
	s2 =	simm.s32 @!p0 $0x1C01  }
0x91: {  	[timem:s3], [sflag:s2] =	dma.local @!p0 [hbm:s0], s1  }
0x92: {  	s0 =	simm.s32 @!p0 $0x1  }
0x93: {  	_ =	swait.ge @!p0 [sflag:s0], s1  }
0x94: {  	s1 =	ssub.s32 @!p0 $0x0, s1;
	[sflag:s0] =	ssyncset.done @!p0 $0x0  }
0x95: {  	[sflag:s0] =	ssyncadd.s32 @!p0 s1  }
0x96: {  	[bflag:$0x3] =	sbarrier.arrive $0xFFFF  }
0x97: {  	_ =	shalt  }

// kernel: kernel.9.cloned.1.call-start
scs
__scs_entry_jumppad:
0x0: {  	(pc) =	sbr.rel $0x88, $3  }
0x1: {  	(tag) =	ssettag $0x0;
	lr =	simm.s32 $0x1  }
0x2: {  	[smem:$0x3F97] =	sst lr;
	_ =	strace $0xD0000000  }
0x3: {  	_ = 	snop  }
0x4: {  	_ = 	snop  }
0x5: {  	_ = 	snop  }
0x6: {  	_ = 	snop  }
0x7: {  	_ = 	snop  }
__scs_overlays_trampoline_lowered:
0x8: {  	[smem:$0x3FA6] =	sst s0  }
0x9: {  	[smem:$0x3FA7] =	sst s1  }
0xa: {  	[smem:$0x3FA8] =	sst s2  }
0xb: {  	[smem:$0x3FA9] =	sst s3  }
0xc: {  	[smem:$0x3FAA] =	sst s4  }
0xd: {  	[smem:$0x3FAB] =	sst s5  }
0xe: {  	[smem:$0x3FAC] =	sst s6  }
0xf: {  	[smem:$0x3FAD] =	sst s7  }
0x10: {  	[smem:$0x3FAE] =	sst s8  }
0x11: {  	[smem:$0x3FAF] =	sst s9;
	s0 =	simm.s32 @!p0 $0x0  }
0x12: {  	s1 =	sld [smem:$0x3F95];
	s0 =	simm.s32 @p0 $0x1  }
0x13: {  	[smem:$0x3FB0] =	sst s0;
	s0 =	simm.s32 @!p1 $0x0  }
0x14: {  	s2 =	sld [smem:$0x3F94];
	s0 =	simm.s32 @p1 $0x1  }
0x15: {  	[smem:$0x3FB1] =	sst s0;
	s0 =	simm.s32 @!p2 $0x0  }
0x16: {  	s3 =	sld [smem:$0x3FDB];
	s0 =	simm.s32 @p2 $0x1  }
0x17: {  	s4 =	simm.s32 $0x1BF5;
	[smem:$0x3FB3] =	sst s0  }
0x18: {  	s0 =	sld [smem:$0x3F96];
	_ =	swait.ge [sflag:s4], $0x0  }
0x19: {  	s7 =	sld [smem:$0x3F97]  }
0x1a: {  	s8 =	sadd.s32 $0xFFFFE003, lr  }
0x1b: {  	s9 =	sadd.s32 $0xFFFFFEF7, lr;
	s5 =	simm.s32 $0xFFFFFFFF;
	p2 =	slt.u32 s8, $0xFFFFF086  }
0x1c: {  	p1 =	slt.u32 s9, $0xF7A;
	s5 =	simm.s32 @!p2 $0x0  }
0x1d: {  	s5 =	simm.s32 @p1 $0x1;
	p0 =	seq.s32 s7, s2  }
0x1e: {  	s7 =	smul.u32 @!p0 $0xF7A, s2;
	p2 =	seq.s32 @!p0 s5, $0x0  }
0x1f: {  	s9 =	smul.u32 $0xF7A, s1;
	s8 =	simm.s32 @!p0 $0x1BF5;
	p2 =	por !p2, p0  }
0x20: {  	[sflag:s8] =	ssyncset.s32 @!p0 $0xFFFFF086;
	s6 =	sadd.s32 @!p0 s3, s7;
	s7 =	simm.s32 @!p0 $0x108  }
0x21: {  	s3 =	sadd.s32 s3, s9;
	s6 =	sadd.s32 @!p0 $0x88, s6;
	s7 =	simm.s32 @p2 $0x1082  }
0x22: {  	[simem:s7], [sflag:s8] =	dma.local @!p0 [hbm:s6], $0xF7A  }
0x23: {  	s9 =	sor.u32 $0xD0000000, s2;
	s6 =	simm.s32 $0x108;
	_ =	swait.ge @!p0 [sflag:s8], $0x0  }
0x24: {  	s3 =	sadd.s32 $0x88, s3;
	s6 =	simm.s32 @!p1 $0x1082;
	[sflag:s4] =	ssyncset.s32 $0xFFFFF086  }
0x25: {  	[simem:s6], [sflag:s4] =	dma.local [hbm:s3], $0xF7A  }
0x26: {  	[smem:$0x3F97] =	sst s1;
	(tag) =	ssettag s2;
	_ =	strace s9  }
0x27: {  	s1 =	sld [smem:$0x3FA7]  }
0x28: {  	s2 =	sld [smem:$0x3FA8]  }
0x29: {  	s4 =	sld [smem:$0x3FAA]  }
0x2a: {  	p0 =	seq.s32 s5, $0x0;
	s5 =	sld [smem:$0x3FAB]  }
0x2b: {  	s6 =	sld [smem:$0x3FAC]  }
0x2c: {  	s7 =	sld [smem:$0x3FAD]  }
0x2d: {  	s3 =	simm.s32 $0x108;
	s8 =	sld [smem:$0x3FAE]  }
0x2e: {  	s3 =	simm.s32 @!p0 $0x1082;
	s9 =	sld [smem:$0x3FAF]  }
0x2f: {  	lr =	sadd.s32 s0, s3;
	s0 =	sld [smem:$0x3FA6]  }
0x30: {  	s3 =	sld [smem:$0x3FA9]  }
0x31: {  	[smem:$0x3FB2] =	sst s10  }
0x32: {  	s10 =	sld [smem:$0x3FB0];
	_ =	sdelay $0x3  }
0x33: {  	p0 =	seq.s32 s10, $0x1;
	s10 =	sld [smem:$0x3FB2];
	_ =	sdelay $0x3  }
0x34: {  	[smem:$0x3FB2] =	sst s10  }
0x35: {  	s10 =	sld [smem:$0x3FB1];
	_ =	sdelay $0x3  }
0x36: {  	p1 =	seq.s32 s10, $0x1;
	s10 =	sld [smem:$0x3FB2];
	_ =	sdelay $0x3  }
0x37: {  	[smem:$0x3FB2] =	sst s10  }
0x38: {  	s10 =	sld [smem:$0x3FB3]  }
0x39: {  	_ = 	snop;
	(pc) =	sbr.ind lr, $3  }
0x3a: {  	_ = 	snop  }
0x3b: {  	_ = 	snop  }
0x3c: {  	p2 =	seq.s32 s10, $0x1;
	s10 =	sld [smem:$0x3FB2]  }
0x3d: {  	_ =	shalt  }
0x3e: {  	_ =	shalt  }
0x3f: {  	_ =	shalt  }
0x40: {  	_ =	shalt  }
0x41: {  	_ =	shalt  }
0x42: {  	_ =	shalt  }
0x43: {  	_ =	shalt  }
0x44: {  	_ =	shalt  }
0x45: {  	_ =	shalt  }
0x46: {  	_ =	shalt  }
0x47: {  	_ =	shalt  }
0x48: {  	_ =	shalt  }
0x49: {  	_ =	shalt  }
0x4a: {  	_ =	shalt  }
0x4b: {  	_ =	shalt  }
0x4c: {  	_ =	shalt  }
0x4d: {  	_ =	shalt  }
0x4e: {  	_ =	shalt  }
0x4f: {  	_ =	shalt  }
0x50: {  	_ =	shalt  }
0x51: {  	_ =	shalt  }
0x52: {  	_ =	shalt  }
0x53: {  	_ =	shalt  }
0x54: {  	_ =	shalt  }
0x55: {  	_ =	shalt  }
0x56: {  	_ =	shalt  }
0x57: {  	_ =	shalt  }
0x58: {  	_ =	shalt  }
0x59: {  	_ =	shalt  }
0x5a: {  	_ =	shalt  }
0x5b: {  	_ =	shalt  }
0x5c: {  	_ =	shalt  }
0x5d: {  	_ =	shalt  }
0x5e: {  	_ =	shalt  }
0x5f: {  	_ =	shalt  }
0x60: {  	_ =	shalt  }
0x61: {  	_ =	shalt  }
0x62: {  	_ =	shalt  }
0x63: {  	_ =	shalt  }
0x64: {  	_ =	shalt  }
0x65: {  	_ =	shalt  }
0x66: {  	_ =	shalt  }
0x67: {  	_ =	shalt  }
0x68: {  	_ =	shalt  }
0x69: {  	_ =	shalt  }
0x6a: {  	_ =	shalt  }
0x6b: {  	_ =	shalt  }
0x6c: {  	_ =	shalt  }
0x6d: {  	_ =	shalt  }
0x6e: {  	_ =	shalt  }
0x6f: {  	_ =	shalt  }
0x70: {  	_ =	shalt  }
0x71: {  	_ =	shalt  }
0x72: {  	_ =	shalt  }
0x73: {  	_ =	shalt  }
0x74: {  	_ =	shalt  }
0x75: {  	_ =	shalt  }
0x76: {  	_ =	shalt  }
0x77: {  	_ =	shalt  }
0x78: {  	_ =	shalt  }
0x79: {  	_ =	shalt  }
0x7a: {  	_ =	shalt  }
0x7b: {  	_ =	shalt  }
0x7c: {  	_ =	shalt  }
0x7d: {  	_ =	shalt  }
0x7e: {  	_ =	shalt  }
0x7f: {  	_ =	shalt  }
0x80: {  	_ =	shalt  }
0x81: {  	_ =	shalt  }
0x82: {  	_ =	shalt  }
0x83: {  	_ =	shalt  }
0x84: {  	_ =	shalt  }
0x85: {  	_ =	shalt  }
0x86: {  	_ =	shalt  }
0x87: {  	_ =	shalt  }
.Lfunc_end0:
.L_simem_size_0:
called_computation.1_lowered:
.L_overlay_start_0:
0x88: {  	s2 =	sld [smem:$0x3FD9]  }
0x89: {  	s3 =	sld [smem:$0x3FFE];
	_ =	sdelay $0x1  }
0x8a: {  	s1 =	srdreg.scid  }
0x8b: {  	s0 =	sand.u32 $0x1, s1  }
0x8c: {  	s17 =	sshll.u32 s0, $0xA;
	s2 =	sadd.s32 s3, s2  }
0x8d: {  	s2 =	sadd.s32 s2, s17  }
0x8e: {  	[smem:$0x3FBE] =	sst s2  }
0x8f: {  	_ = 	snop  }
0x90: {  	s2 =	sld [smem:$0x3FD0];
	(tm) =	ssettm $0x1  }
0x91: {  	s18 =	sld [smem:$0x3FFB];
	_ =	sdelay $0x3  }
0x92: {  	_ =	strace s18  }
0x93: {  	s3 =	sld [smem:$0x3FFC];
	_ =	sdelay $0x3  }
0x94: {  	_ =	strace s3  }
0x95: {  	s3 =	sld [smem:$0x3FFD];
	_ =	sdelay $0x3  }
0x96: {  	_ =	strace s3  }
0x97: {  	_ =	strace $0x8FFFFFFF  }
0x98: {  	s19 =	sld [smem:$0x3FDB];
	_ =	sdelay $0x1  }
0x99: {  	s4 =	simm.s32 $_scs_section_size  }
0x9a: {  	s5 =	simm.s32 $_size__tile_overlayer_lowered;
	s6 =	simm.s32 $_tile_overlayer_lowered  }
0x9b: {  	s22 =	simm.s32 $0x1BFF;
	s21 =	sshll.u32 s6, $0x1;
	s3 =	sadd.s32 s4, s19  }
0x9c: {  	s7 =	simm.s32 $0x0;
	s20 =	sshll.u32 s5, $0x1;
	s5 =	sadd.s32 s21, s3  }
0x9d: {  	[timem:s7], [sflag:s22] =	dma.local [hbm:s5], s20  }
0x9e: {  	_ =	swait.ge [sflag:s22], s20  }
0x9f: {  	s4 =	ssub.s32 $0x0, s20;
	[sflag:s22] =	ssyncset.done $0x0  }
0xa0: {  	[sflag:s22] =	ssyncadd.s32 s4;
	_ =	sdelay $0x1  }
0xa1: {  	s23 =	simm.s32 $0x1B8B  }
0xa2: {  	_ =	swait.ge [sflag:s23], $0x1  }
0xa3: {  	[sflag:s23] =	ssyncset.done $0x0  }
0xa4: {  	s25 =	simm.s32 $0x1B8E;
	s24 =	sld [smem:$0x3FFE];
	[sflag:s23] =	ssyncadd.s32 $0xFFFFFFFF  }
0xa5: {  	s26 =	simm.s32 $execute0_lowered;
	[smem:$0x3FD2] =	sst s25  }
0xa6: {  	s5 =	sshll.u32 s26, $0x1;
	_ =	strace $0x80000049;
	[dreg:$0x1] =	wrdreg $0xFFFFFFFF  }
0xa7: {  	s28 =	simm.s32 $_size_execute0_lowered;
	s3 =	sadd.s32 s3, s5;
	[dreg:$0x0] =	wrdreg $0x0  }
0xa8: {  	s5 =	sshll.u32 s28, $0x1;
	[dreg:$0x2] =	wrdreg s3  }
0xa9: {  	[dreg:$0x3] =	wrdreg s5  }
0xaa: {  	[dreg:$0x4] =	wrdreg $0xC0  }
0xab: {  	_ =	task [dreg:s7], $0x5FFFF  }
0xac: {  	[dreg:$0x1] =	wrdreg $0xFFFFFFFF  }
0xad: {  	[dreg:$0x0] =	wrdreg $0x60  }
0xae: {  	[dreg:$0x2] =	wrdreg s2  }
0xaf: {  	[dreg:$0x3] =	wrdreg s24  }
0xb0: {  	[dreg:$0x4] =	wrdreg $0x44000  }
0xb1: {  	[dreg:$0x5] =	wrdreg $0x9  }
0xb2: {  	_ =	task.clear_ibuf [dreg:s7], $0x6FFFF;
	_ =	strace $0x90000049  }
0xb3: {  	s29 =	simm.s32 $0x9;
	_ =	strace $0x8000004B  }
0xb4: {  	_ =	swait.ge [sflag:s29], $0x1  }
0xb5: {  	[sflag:s29] =	ssyncadd.s32 $0xFFFFFFFF  }
0xb6: {  	_ =	strace $0x9000004B  }
0xb7: {  	_ =	sfence  }
0xb8: {  	s30 =	sld [smem:$0x0];
	_ =	sdelay $0x2  }
0xb9: {  	s31 =	sshll.u32 s1, $0xD;
	s1 =	sshrl.u32 s1, $0x2  }
0xba: {  	s3 =	sand.u32 $0x4000, s31;
	s1 =	sadd.s32 s1, s30  }
0xbb: {  	s0 =	sor.u32 s3, s0;
	s1 =	sshll.u32 s1, $0x11  }
0xbc: {  	s0 =	sor.u32 s1, s0  }
0xbd: {  	s0 =	sadd.s32 $0x8F2B, s0  }
0xbe: {  	[sflag:s0] =	ssyncadd.remote.s32 $0x1  }
0xbf: {  	_ =	sfence.sel $0xFFFF  }
0xc0: {  	[dreg:$0x0] =	wrdreg $0xFFFFFFFF;
	(pc) =	sbr.abs _section_cstart, $3  }
0xc1: {  	[dreg:$0x1] =	wrdreg $0xFFFFFFFF  }
0xc2: {  	_ =	task.clear_ibuf [dreg:s7], $0x2FFFF;
	_ =	strace $0x9FFFFFFF  }
0xc3: {  	(tm) =	ssettm $0x7FFFFFFF  }
tec
execute0_lowered:
.L_overlay_start_1:
0x0: {  	(tag) =	ssettag $0x1  }
0x1: {  	s0 =	rddreg [dreg:$0x0]  }
0x2: {  	s5 =	rddreg [dreg:$0x1]  }
0x3: {  	s1 =	srdreg.scid;
	s3 =	rddreg [dreg:$0x2]  }
0x4: {  	s2 =	stileid.u32;
	s4 =	simm.s32 $0x0;
	s14 =	simm.s32 $0x400  }
0x5: {  	s15 =	simm.s32 $0x1;
	s16 =	simm.s32 $0x200;
	s17 =	simm.s32 $0x80  }
0x6: {  	s18 =	simm.s32 $0x280;
	s19 =	simm.s32 $0x100;
	s9 =	smul.u32 $0x13C00, s2  }
0x7: {  	s20 =	simm.s32 $0x300;
	s21 =	simm.s32 $0x180;
	s10 =	smul.u32 $0x4F000, s2  }
0x8: {  	s22 =	simm.s32 $0x380;
	s6 =	sand.u32 $0x1, s1;
	s13 =	smul.u32 $0x500, s2  }
0x9: {  	s23 =	simm.s32 $0x0;
	s1 =	rddreg [dreg:$0x3];
	s7 =	smul.u32 $0x5000, s6  }
0xa: {  	[smem:$0x7FF] =	sst s4;
	s8 =	smul.u32 $0x13C000, s6;
	s6 =	ssub.s32 $0x2, s6  }
0xb: {  	_ =	strace $0x8000004A;
	s29 =	sshrl.u32 s10, $0x2;
	s31 =	sshrl.u32 s6, $0x1  }
0xc: {  	s12 =	sadd.s32 s7, s5;
	s28 =	sadd.s32 s9, s8;
	s11 =	ssub.s32 s6, s31  }
0xd: {  	s7 =	sshrl.u32 s28, $0x3;
	s11 =	smax.u32 s11, $0x1;
	s13 =	sadd.s32 s13, s12  }
0xe: {  	s30 =	sadd.s32 s7, s5;
	s5 =	sadd.s32 s29, s3;
	s12 =	sadd.s32 $0x1600, s13  }
0xf: {  	s13 =	sadd.s32 $0x2CB600, s13;
	s6 =	sadd.s32 $0x4000, s5;
	s7 =	sadd.s32 $0x8000, s5  }
0x10: {  	v0 =	vimm.f32 $0.0e+00;
	s8 =	sadd.s32 $0xC000, s5;
	s9 =	sadd.s32 $0x10000, s5;
	s10 =	sadd.s32 $0x59800, s30  }
.LBB2_1:
0x11: {  	s24 =	simm.s32 $0x0;
	s25 =	simm.s32 $0x200  }
.LBB2_2:
0x12: {  	p0 =	sne.s32 s25, $0xFE00;
	[tilespmem:s24+$0x470] =	vst v0  }
0x13: {  	[tilespmem:s24+$0x400] =	vst v0  }
0x14: {  	[tilespmem:s24+$0x410] =	vst v0  }
.Ltmp0:
0x15: {  	[tilespmem:s24+$0x420] =	vst v0;
	(pc) =	sbr.rel @p0 .LBB2_2-.Ltmp0, $4  }
0x16: {  	[tilespmem:s24+$0x430] =	vst v0  }
0x17: {  	[tilespmem:s24+$0x440] =	vst v0  }
0x18: {  	[tilespmem:s24+$0x450] =	vst v0  }
0x19: {  	[tilespmem:s24+$0x460] =	vst v0;
	s24 =	sshra.s32 s25, $0x2;
	s25 =	sadd.s32 $0x200, s25  }
0x1a: {  	[tilespmem:s24+$0x470] =	vst v0  }
0x1b: {  	[tilespmem:s24+$0x400] =	vst v0  }
0x1c: {  	[tilespmem:s24+$0x410] =	vst v0  }
0x1d: {  	[tilespmem:s24+$0x420] =	vst v0  }
0x1e: {  	[tilespmem:s24+$0x430] =	vst v0  }
0x1f: {  	[tilespmem:s24+$0x440] =	vst v0  }
0x20: {  	[tilespmem:s24+$0x450] =	vst v0  }
0x21: {  	[tilespmem:s24+$0x460] =	vst v0  }
0x22: {  	[spmem:s5] =	stream.linear.scatter [tilespmem:s14], [sflag:$0x1], $0x4000, $0x38;
	[tilespmem:$0x18000] =	vst v63  }
0x23: {  	_ =	swait.ge [sflag:s15], $0x4000  }
0x24: {  	[sflag:s15] =	ssyncset.done $0x0  }
0x25: {  	[sflag:s15] =	ssyncadd.s32 $0xFFFFC000  }
0x26: {  	[spmem:s6] =	stream.linear.scatter [tilespmem:s14], [sflag:$0x1], $0x4000, $0x38;
	[tilespmem:$0x18000] =	vst v63  }
0x27: {  	_ =	swait.ge [sflag:s15], $0x4000  }
0x28: {  	[sflag:s15] =	ssyncset.done $0x0  }
0x29: {  	[sflag:s15] =	ssyncadd.s32 $0xFFFFC000  }
0x2a: {  	[spmem:s7] =	stream.linear.scatter [tilespmem:s14], [sflag:$0x1], $0x4000, $0x38;
	[tilespmem:$0x18000] =	vst v63  }
0x2b: {  	_ =	swait.ge [sflag:s15], $0x4000  }
0x2c: {  	[sflag:s15] =	ssyncset.done $0x0  }
0x2d: {  	[sflag:s15] =	ssyncadd.s32 $0xFFFFC000  }
0x2e: {  	[spmem:s8] =	stream.linear.scatter [tilespmem:s14], [sflag:$0x1], $0x4000, $0x38;
	[tilespmem:$0x18000] =	vst v63  }
0x2f: {  	_ =	swait.ge [sflag:s15], $0x4000  }
0x30: {  	[sflag:s15] =	ssyncset.done $0x0  }
0x31: {  	[sflag:s15] =	ssyncadd.s32 $0xFFFFC000  }
0x32: {  	[spmem:s9] =	stream.linear.scatter [tilespmem:s14], [sflag:$0x1], $0x3C00, $0x38;
	[tilespmem:$0x18000] =	vst v63  }
0x33: {  	_ =	swait.ge [sflag:s15], $0x3C00  }
0x34: {  	[sflag:s15] =	ssyncset.done $0x0  }
0x35: {  	[sflag:s15] =	ssyncadd.s32 $0xFFFFC400  }
0x36: {  	s30 =	sadd.s32 $0x0, s13;
	[bflag:$0x0] =	sbarrier.arrive $0xFFFF  }
0x37: {  	[tilespmem:s4], [sflag:$0x1] =	stream.linear.gather [hbm4b:s30+s4], $0x200, $0x38;
	[tilespmem:$0x18000] =	vst v63  }
0x38: {  	_ =	swait.ge [sflag:s15], $0x200  }
0x39: {  	[sflag:s15] =	ssyncset.done $0x0  }
0x3a: {  	s31 =	sadd.s32 $0x0, s12;
	[sflag:s15] =	ssyncadd.s32 $0xFFFFFE00  }
0x3b: {  	[tilespmem:s16], [sflag:$0x1] =	stream.linear.gather [hbm4b:s31+s4], $0x200, $0x38;
	[tilespmem:$0x18000] =	vst v63  }
0x3c: {  	_ =	swait.ge [sflag:s15], $0x200  }
0x3d: {  	[sflag:s15] =	ssyncset.done $0x0  }
0x3e: {  	[sflag:s15] =	ssyncadd.s32 $0xFFFFFE00  }
0x3f: {  	[tilespmem:s14], [sflag:$0x1] =	stream.indirect.gather [hbm4b:s0+s17], $0x80, s4, s17, $0xb8;
	[tilespmem:$0x18000] =	vst v63  }
0x40: {  	_ =	swait.ge [sflag:s15], $0x4000  }
0x41: {  	[sflag:s15] =	ssyncset.done $0x0  }
0x42: {  	[sflag:s15] =	ssyncadd.s32 $0xFFFFC000  }
0x43: {  	[spmem:s3] =	stream.indirect.scatter.add.f32 [tilespmem:s14], [sflag:$0x1], $0x80, s16, s17, $0xb8;
	[tilespmem:$0x18000] =	vst v63  }
0x44: {  	_ =	swait.ge [sflag:s15], $0x4000  }
0x45: {  	[sflag:s15] =	ssyncset.done $0x0  }
0x46: {  	[sflag:s15] =	ssyncadd.s32 $0xFFFFC000  }
0x47: {  	[tilespmem:s14], [sflag:$0x1] =	stream.indirect.gather [hbm4b:s0+s17], $0x80, s17, s17, $0xb8;
	[tilespmem:$0x18000] =	vst v63  }
0x48: {  	_ =	swait.ge [sflag:s15], $0x4000  }
0x49: {  	[sflag:s15] =	ssyncset.done $0x0  }
0x4a: {  	[sflag:s15] =	ssyncadd.s32 $0xFFFFC000  }
0x4b: {  	[spmem:s3] =	stream.indirect.scatter.add.f32 [tilespmem:s14], [sflag:$0x1], $0x80, s18, s17, $0xb8;
	[tilespmem:$0x18000] =	vst v63  }
0x4c: {  	_ =	swait.ge [sflag:s15], $0x4000  }
0x4d: {  	[sflag:s15] =	ssyncset.done $0x0  }
0x4e: {  	[sflag:s15] =	ssyncadd.s32 $0xFFFFC000  }
0x4f: {  	[tilespmem:s14], [sflag:$0x1] =	stream.indirect.gather [hbm4b:s0+s17], $0x80, s19, s17, $0xb8;
	[tilespmem:$0x18000] =	vst v63  }
0x50: {  	_ =	swait.ge [sflag:s15], $0x4000  }
0x51: {  	[sflag:s15] =	ssyncset.done $0x0  }
0x52: {  	[sflag:s15] =	ssyncadd.s32 $0xFFFFC000  }
0x53: {  	[spmem:s3] =	stream.indirect.scatter.add.f32 [tilespmem:s14], [sflag:$0x1], $0x80, s20, s17, $0xb8;
	[tilespmem:$0x18000] =	vst v63  }
0x54: {  	_ =	swait.ge [sflag:s15], $0x4000  }
0x55: {  	[sflag:s15] =	ssyncset.done $0x0  }
0x56: {  	[sflag:s15] =	ssyncadd.s32 $0xFFFFC000  }
0x57: {  	[tilespmem:s14], [sflag:$0x1] =	stream.indirect.gather [hbm4b:s0+s17], $0x80, s21, s17, $0xb8;
	[tilespmem:$0x18000] =	vst v63  }
0x58: {  	_ =	swait.ge [sflag:s15], $0x4000  }
0x59: {  	[sflag:s15] =	ssyncset.done $0x0  }
0x5a: {  	[sflag:s15] =	ssyncadd.s32 $0xFFFFC000  }
0x5b: {  	[spmem:s3] =	stream.indirect.scatter.add.f32 [tilespmem:s14], [sflag:$0x1], $0x80, s22, s17, $0xb8;
	[tilespmem:$0x18000] =	vst v63  }
0x5c: {  	_ =	swait.ge [sflag:s15], $0x4000  }
0x5d: {  	s24 =	simm.s32 $0x40;
	s26 =	simm.s32 $0x80;
	[sflag:s15] =	ssyncset.done $0x0  }
.LBB2_4:
0x5e: {  	s28 =	sadd.s32 s24, s13  }
0x5f: {  	[sflag:s15] =	ssyncadd.s32 $0xFFFFC000;
	s29 =	smov.u32 s26;
	s25 =	sadd.s32 $0x40, s26  }
0x60: {  	[tilespmem:s4], [sflag:$0x1] =	stream.linear.gather [hbm4b:s28+s4], $0x200, $0x38;
	[tilespmem:$0x18000] =	vst v63  }
0x61: {  	p0 =	sne.s32 s26, $0x4C0;
	_ =	swait.ge [sflag:s15], $0x200  }
0x62: {  	[sflag:s15] =	ssyncset.done $0x0  }
0x63: {  	s26 =	sadd.s32 s24, s12;
	s24 =	smov.u32 s29;
	[sflag:s15] =	ssyncadd.s32 $0xFFFFFE00  }
0x64: {  	[tilespmem:s16], [sflag:$0x1] =	stream.linear.gather [hbm4b:s26+s4], $0x200, $0x38;
	[tilespmem:$0x18000] =	vst v63  }
0x65: {  	_ =	swait.ge [sflag:s15], $0x200  }
0x66: {  	[sflag:s15] =	ssyncset.done $0x0  }
0x67: {  	[sflag:s15] =	ssyncadd.s32 $0xFFFFFE00  }
0x68: {  	[tilespmem:s14], [sflag:$0x1] =	stream.indirect.gather [hbm4b:s0+s17], $0x80, s4, s17, $0xb8;
	[tilespmem:$0x18000] =	vst v63  }
0x69: {  	_ =	swait.ge [sflag:s15], $0x4000  }
0x6a: {  	[sflag:s15] =	ssyncset.done $0x0  }
0x6b: {  	[sflag:s15] =	ssyncadd.s32 $0xFFFFC000  }
0x6c: {  	[spmem:s3] =	stream.indirect.scatter.add.f32 [tilespmem:s14], [sflag:$0x1], $0x80, s16, s17, $0xb8;
	[tilespmem:$0x18000] =	vst v63  }
0x6d: {  	_ =	swait.ge [sflag:s15], $0x4000  }
0x6e: {  	[sflag:s15] =	ssyncset.done $0x0  }
0x6f: {  	[sflag:s15] =	ssyncadd.s32 $0xFFFFC000  }
0x70: {  	[tilespmem:s14], [sflag:$0x1] =	stream.indirect.gather [hbm4b:s0+s17], $0x80, s17, s17, $0xb8;
	[tilespmem:$0x18000] =	vst v63  }
0x71: {  	_ =	swait.ge [sflag:s15], $0x4000  }
0x72: {  	[sflag:s15] =	ssyncset.done $0x0  }
0x73: {  	[sflag:s15] =	ssyncadd.s32 $0xFFFFC000  }
0x74: {  	[spmem:s3] =	stream.indirect.scatter.add.f32 [tilespmem:s14], [sflag:$0x1], $0x80, s18, s17, $0xb8;
	[tilespmem:$0x18000] =	vst v63  }
0x75: {  	_ =	swait.ge [sflag:s15], $0x4000  }
0x76: {  	[sflag:s15] =	ssyncset.done $0x0  }
0x77: {  	[sflag:s15] =	ssyncadd.s32 $0xFFFFC000  }
0x78: {  	[tilespmem:s14], [sflag:$0x1] =	stream.indirect.gather [hbm4b:s0+s17], $0x80, s19, s17, $0xb8;
	[tilespmem:$0x18000] =	vst v63  }
0x79: {  	_ =	swait.ge [sflag:s15], $0x4000  }
0x7a: {  	[sflag:s15] =	ssyncset.done $0x0  }
0x7b: {  	[sflag:s15] =	ssyncadd.s32 $0xFFFFC000  }
0x7c: {  	[spmem:s3] =	stream.indirect.scatter.add.f32 [tilespmem:s14], [sflag:$0x1], $0x80, s20, s17, $0xb8;
	[tilespmem:$0x18000] =	vst v63  }
0x7d: {  	_ =	swait.ge [sflag:s15], $0x4000  }
0x7e: {  	[sflag:s15] =	ssyncset.done $0x0  }
0x7f: {  	[sflag:s15] =	ssyncadd.s32 $0xFFFFC000  }
0x80: {  	[tilespmem:s14], [sflag:$0x1] =	stream.indirect.gather [hbm4b:s0+s17], $0x80, s21, s17, $0xb8;
	[tilespmem:$0x18000] =	vst v63  }
0x81: {  	_ =	swait.ge [sflag:s15], $0x4000  }
.Ltmp1:
0x82: {  	[sflag:s15] =	ssyncset.done $0x0;
	(pc) =	sbr.rel @p0 .LBB2_4-.Ltmp1, $4  }
0x83: {  	[sflag:s15] =	ssyncadd.s32 $0xFFFFC000  }
0x84: {  	[spmem:s3] =	stream.indirect.scatter.add.f32 [tilespmem:s14], [sflag:$0x1], $0x80, s22, s17, $0xb8;
	[tilespmem:$0x18000] =	vst v63  }
0x85: {  	_ =	swait.ge [sflag:s15], $0x4000  }
0x86: {  	s26 =	smov.u32 s25;
	[sflag:s15] =	ssyncset.done $0x0  }
0x87: {  	s25 =	sadd.s32 s24, s13;
	[sflag:s15] =	ssyncadd.s32 $0xFFFFC000  }
0x88: {  	[tilespmem:s4], [sflag:$0x1] =	stream.linear.gather [hbm4b:s25+s4], $0x200, $0x38;
	[tilespmem:$0x18000] =	vst v63  }
0x89: {  	_ =	swait.ge [sflag:s15], $0x200  }
0x8a: {  	[sflag:s15] =	ssyncset.done $0x0  }
0x8b: {  	s29 =	sadd.s32 s24, s12;
	[sflag:s15] =	ssyncadd.s32 $0xFFFFFE00  }
0x8c: {  	[tilespmem:s16], [sflag:$0x1] =	stream.linear.gather [hbm4b:s29+s4], $0x200, $0x38;
	[tilespmem:$0x18000] =	vst v63  }
0x8d: {  	_ =	swait.ge [sflag:s15], $0x200  }
0x8e: {  	[sflag:s15] =	ssyncset.done $0x0  }
0x8f: {  	[sflag:s15] =	ssyncadd.s32 $0xFFFFFE00  }
0x90: {  	[tilespmem:s14], [sflag:$0x1] =	stream.indirect.gather [hbm4b:s0+s17], $0x80, s4, s17, $0xb8;
	[tilespmem:$0x18000] =	vst v63  }
0x91: {  	_ =	swait.ge [sflag:s15], $0x4000  }
0x92: {  	[sflag:s15] =	ssyncset.done $0x0  }
0x93: {  	[sflag:s15] =	ssyncadd.s32 $0xFFFFC000  }
0x94: {  	[spmem:s3] =	stream.indirect.scatter.add.f32 [tilespmem:s14], [sflag:$0x1], $0x80, s16, s17, $0xb8;
	[tilespmem:$0x18000] =	vst v63  }
0x95: {  	_ =	swait.ge [sflag:s15], $0x4000  }
0x96: {  	[sflag:s15] =	ssyncset.done $0x0  }
0x97: {  	[sflag:s15] =	ssyncadd.s32 $0xFFFFC000  }
0x98: {  	[tilespmem:s14], [sflag:$0x1] =	stream.indirect.gather [hbm4b:s0+s17], $0x80, s17, s17, $0xb8;
	[tilespmem:$0x18000] =	vst v63  }
0x99: {  	_ =	swait.ge [sflag:s15], $0x4000  }
0x9a: {  	[sflag:s15] =	ssyncset.done $0x0  }
0x9b: {  	[sflag:s15] =	ssyncadd.s32 $0xFFFFC000  }
0x9c: {  	[spmem:s3] =	stream.indirect.scatter.add.f32 [tilespmem:s14], [sflag:$0x1], $0x80, s18, s17, $0xb8;
	[tilespmem:$0x18000] =	vst v63  }
0x9d: {  	_ =	swait.ge [sflag:s15], $0x4000  }
0x9e: {  	[sflag:s15] =	ssyncset.done $0x0  }
0x9f: {  	[sflag:s15] =	ssyncadd.s32 $0xFFFFC000  }
0xa0: {  	[tilespmem:s14], [sflag:$0x1] =	stream.indirect.gather [hbm4b:s0+s17], $0x80, s19, s17, $0xb8;
	[tilespmem:$0x18000] =	vst v63  }
0xa1: {  	_ =	swait.ge [sflag:s15], $0x4000  }
0xa2: {  	[sflag:s15] =	ssyncset.done $0x0  }
0xa3: {  	[sflag:s15] =	ssyncadd.s32 $0xFFFFC000  }
0xa4: {  	[spmem:s3] =	stream.indirect.scatter.add.f32 [tilespmem:s14], [sflag:$0x1], $0x80, s20, s17, $0xb8;
	[tilespmem:$0x18000] =	vst v63  }
0xa5: {  	_ =	swait.ge [sflag:s15], $0x4000  }
0xa6: {  	[sflag:s15] =	ssyncset.done $0x0  }
0xa7: {  	[sflag:s15] =	ssyncadd.s32 $0xFFFFC000  }
0xa8: {  	[tilespmem:s14], [sflag:$0x1] =	stream.indirect.gather [hbm4b:s0+s17], $0x80, s21, s17, $0xb8;
	[tilespmem:$0x18000] =	vst v63  }
0xa9: {  	_ =	swait.ge [sflag:s15], $0x4000  }
0xaa: {  	[sflag:s15] =	ssyncset.done $0x0  }
0xab: {  	[sflag:s15] =	ssyncadd.s32 $0xFFFFC000  }
0xac: {  	[spmem:s3] =	stream.indirect.scatter.add.f32 [tilespmem:s14], [sflag:$0x1], $0x80, s22, s17, $0xb8;
	[tilespmem:$0x18000] =	vst v63  }
0xad: {  	_ =	swait.ge [sflag:s15], $0x4000  }
0xae: {  	s30 =	sshll.u32 s2, $0x6;
	s23 =	sadd.s32 $0x1, s23;
	[sflag:s15] =	ssyncset.done $0x0  }
0xaf: {  	s31 =	sshrl.u32 s5, $0x3;
	p0 =	sne.s32 s23, s11;
	[sflag:s15] =	ssyncadd.s32 $0xFFFFC000  }
.Ltmp2:
0xb0: {  	s24 =	sor.u32 $0x1C01, s30;
	[bflag:$0x0] =	sbarrier.arrive $0xFFFF;
	(pc) =	sbr.rel @p0 .LBB2_1-.Ltmp2, $4  }
0xb1: {  	[hbm:s10], [sflag:s24] =	dma.local [spmem:s31], $0x2780  }
0xb2: {  	_ =	swait.ge [sflag:s15], $0x2780  }
0xb3: {  	[sflag:s15] =	ssyncset.done $0x0  }
0xb4: {  	[sflag:s15] =	ssyncadd.s32 $0xFFFFD880  }
0xb5: {  	_ =	sfence.sel $0x180000  }
0xb6: {  	[bflag:$0x0] =	sbarrier.arrive $0xFFFF  }
0xb7: {  	p0 =	sne.s32 s2, $0x0;
	_ =	strace $0x9000004A  }
0xb8: {  	s0 =	sadd.s32 @!p0 $0x100000, s1;
	[bflag:$0x2] =	sbarrier.arrive $0xFFFF  }
0xb9: {  	[sflag:s0] =	ssyncadd.tile.s32 @!p0 $0x1;
	_ =	shalt  }
.Lfunc_end2:
_tile_overlayer_lowered:
.L_overlay_start_2:
0xba: {  	(tag) =	ssettag $0x2  }
0xbb: {  	s0 =	rddreg [dreg:$0x0];
	s2 =	stileid.u32  }
0xbc: {  	s1 =	rddreg [dreg:$0x1];
	p0 =	sne.s32 s2, $0x0  }
0xbd: {  	s3 =	rddreg [dreg:$0x2];
	[bflag:$0x3] =	sbarrier.arrive $0xFFFF;
	s2 =	simm.s32 @!p0 $0x1C01  }
0xbe: {  	[timem:s3], [sflag:s2] =	dma.local @!p0 [hbm:s0], s1  }
0xbf: {  	s0 =	simm.s32 @!p0 $0x1  }
0xc0: {  	_ =	swait.ge @!p0 [sflag:s0], s1  }
0xc1: {  	s1 =	ssub.s32 @!p0 $0x0, s1;
	[sflag:s0] =	ssyncset.done @!p0 $0x0  }
0xc2: {  	[sflag:s0] =	ssyncadd.s32 @!p0 s1  }
0xc3: {  	[bflag:$0x3] =	sbarrier.arrive $0xFFFF  }
0xc4: {  	_ =	shalt  }

</sc_bundles>
